<compile_context>
chip_gen: v7x
topology: tpu7x:2x2x1
jax: 0.10.2.dev20260603
libtpu: 0.0.44.dev20260713+nightly
codegen_flags: <defaults>
</compile_context>

<pallas_src>
import functools

import jax
import jax.numpy as jnp
from jax import lax
from jax.experimental import pallas as pl
from jax.experimental.pallas import tpu as pltpu
from jax.experimental.pallas import tpu_sc as plsc

_B, _C = 16, 96
_NTHETA, _NY, _NX = 8, 64, 64
_ROWS = _B * _C
_IN_ROW = _NTHETA * _NY * _NX
_OUT_ROW = _IN_ROW // 4
_NW = 32
_LINES = _NTHETA * (_NY // 2)

_SC_ROWS = 512
_TC_ROWS = _ROWS - _SC_ROWS
_M_TC = _TC_ROWS * _LINES
_BM = 2048

_mesh = plsc.VectorSubcoreMesh(core_axis_name="c", subcore_axis_name="s")


def _make_pool_sc(rows):
    rpw = rows // _NW

    @functools.partial(
        pl.kernel,
        mesh=_mesh,
        out_type=jax.ShapeDtypeStruct((rows, _OUT_ROW), jnp.float32),
        scratch_types=[
            pltpu.VMEM((_IN_ROW,), jnp.float32),
            pltpu.VMEM((_IN_ROW,), jnp.float32),
            pltpu.VMEM((_OUT_ROW,), jnp.float32),
            pltpu.VMEM((_OUT_ROW,), jnp.float32),
            pltpu.SemaphoreType.DMA,
            pltpu.SemaphoreType.DMA,
            pltpu.SemaphoreType.DMA,
            pltpu.SemaphoreType.DMA,
        ],
        compiler_params=pltpu.CompilerParams(needs_layout_passes=False),
    )
    def _pool_sc(x_hbm, out_hbm, in0, in1, o0, o1, si0, si1, so0, so1):
        wid = lax.axis_index("s") * 2 + lax.axis_index("c")
        row0 = wid * rpw
        in_v = (in0, in1)
        out_v = (o0, o1)
        sem_i = (si0, si1)
        sem_o = (so0, so1)
        iota = lax.broadcasted_iota(jnp.int32, (16,), 0)
        idx = [2 * iota + off for off in (0, 1, 64, 65)]

        def compute_row(src, dst):
            def line_body(l, _):
                for g in (0, 1):
                    win = src.at[pl.ds(l * 128 + 32 * g, 96)]
                    v = [plsc.load_gather(win, [e]) for e in idx]
                    dst[pl.ds(l * 32 + 16 * g, 16)] = (
                        (v[0] + v[1]) + (v[2] + v[3])
                    ) * 0.25
                return 0

            lax.fori_loop(0, _LINES, line_body, 0, unroll=8)

        pltpu.async_copy(x_hbm.at[row0], in0, si0)

        def pair_body(ii, _):
            for b in (0, 1):
                i = 2 * ii + b
                r = row0 + i
                if b == 0:
                    pltpu.async_copy(x_hbm.at[r + 1], in_v[1], sem_i[1])
                else:
                    @pl.when(ii < rpw // 2 - 1)
                    def _():
                        pltpu.async_copy(x_hbm.at[r + 1], in_v[0], sem_i[0])

                pltpu.make_async_copy(x_hbm.at[row0], in_v[b], sem_i[b]).wait()
                @pl.when(ii >= 1)
                def _():
                    pltpu.make_async_copy(
                        out_v[b], out_hbm.at[row0], sem_o[b]
                    ).wait()

                compute_row(in_v[b], out_v[b])
                pltpu.async_copy(out_v[b], out_hbm.at[r], sem_o[b])
            return 0

        lax.fori_loop(0, rpw // 2, pair_body, 0)
        for b in (0, 1):
            pltpu.make_async_copy(out_v[b], out_hbm.at[row0], sem_o[b]).wait()

    return _pool_sc


_pool_sc = _make_pool_sc(_SC_ROWS)


def _tc_body(x_ref, p_ref, o_ref):
    a = x_ref[...]
    ysum = a[:, :_NX] + a[:, _NX:]
    o_ref[...] = jnp.dot(
        ysum,
        p_ref[...],
        precision=lax.Precision.HIGHEST,
        preferred_element_type=jnp.float32,
    )


_TC_OFF = _SC_ROWS * _LINES // _BM

_pool_tc = pl.pallas_call(
    _tc_body,
    grid=(_M_TC // _BM,),
    in_specs=[
        pl.BlockSpec((_BM, 2 * _NX), lambda i: (i + _TC_OFF, 0)),
        pl.BlockSpec((_NX, _NX // 2), lambda i: (0, 0)),
    ],
    out_specs=pl.BlockSpec((_BM, _NX // 2), lambda i: (i, 0)),
    out_shape=jax.ShapeDtypeStruct((_M_TC, _NX // 2), jnp.float32),
)


def kernel(x):
    xr = x.reshape(_ROWS, _IN_ROW)
    out_sc = _pool_sc(xr[:_SC_ROWS])
    ii = lax.broadcasted_iota(jnp.int32, (_NX, _NX // 2), 0)
    jj = lax.broadcasted_iota(jnp.int32, (_NX, _NX // 2), 1)
    p = jnp.where(ii // 2 == jj, jnp.float32(0.25), jnp.float32(0.0))
    x_view = xr.reshape(_ROWS * _LINES, 2 * _NX)
    out_tc = _pool_tc(x_view, p).reshape(_TC_ROWS, _OUT_ROW)
    out = jnp.concatenate([out_sc, out_tc], axis=0)
    return out.reshape(_B, _C, _OUT_ROW)

# --- scband reference (transcript-rebuilt; emitter-appended) ---
"""Pipeline reference for scband-se2-spatial-pool-81509889344164 (READ-ONLY COPY).

The authoritative reference and input builder live on the scoring server;
editing this copy changes nothing except your own understanding.
"""

import jax, jax.numpy as jnp
import numpy as np

NX, NY, NTHETA = 64, 64, 8
K = 2

def _reduction_index(nx, ny, ntheta, k):
    Fin = nx * ny
    Fout = (nx // k) * (ny // k)
    x_idx = np.arange(nx // k)
    y_idx = np.arange(ny // k)
    grid_y, grid_x = np.meshgrid(y_idx, x_idx, indexing='ij')
    x_idx = grid_x.flatten()
    y_idx = grid_y.flatten()
    theta_index = np.arange(ntheta)
    xy_index = np.empty((Fout, k ** 2), dtype=np.float64)
    for ikx in range(k):
        for iky in range(k):
            xy_index[:, ikx + iky * k] = x_idx * k + y_idx * k * nx + ikx + iky * nx
    index = theta_index[:, None, None] * Fin + xy_index[None, :, :]
    return index.reshape(-1, k ** 2).astype(np.int64)


def setup_inputs(seed: int = 0) -> dict:
    key = jax.random.key(seed)
    x = jax.random.normal(key, (16, 96, NX * NY * NTHETA), dtype=jnp.float32)
    return {"x": x}


def reference(x):
    # SE(2) spatial avg pool: gather kernel_size^2 spatial neighbors per
    # (theta, output-pixel) slot along the last axis, then mean-reduce.
    idx = jnp.asarray(_reduction_index(NX, NY, NTHETA, K))  # [ntheta*Fout, k^2]
    gathered = x[..., idx]  # [B, C, ntheta*Fout, k^2]
    return gathered.mean(axis=-1)

if __name__ == "__main__":
    import jax
    _d = setup_inputs()
    print(jax.jit(kernel)(*tuple(_d.values())))

</pallas_src>

<mosaic_0001>
#map = affine_map<(d0, d1) -> (0, 0)>
module attributes {stable_mosaic.version = 14 : i64} {
  func.func @_pool_sc(%arg0: i32, %arg1: i32, %arg2: memref<512x32768xf32, #tpu.memory_space<hbm>>, %arg3: memref<512x8192xf32, #tpu.memory_space<hbm>>, %arg4: memref<32768xf32, #tpu.memory_space<vmem>>, %arg5: memref<32768xf32, #tpu.memory_space<vmem>>, %arg6: memref<8192xf32, #tpu.memory_space<vmem>>, %arg7: memref<8192xf32, #tpu.memory_space<vmem>>, %arg8: memref<!tpu.dma_semaphore, #tpu.memory_space<semaphore_mem>>, %arg9: memref<!tpu.dma_semaphore, #tpu.memory_space<semaphore_mem>>, %arg10: memref<!tpu.dma_semaphore, #tpu.memory_space<semaphore_mem>>, %arg11: memref<!tpu.dma_semaphore, #tpu.memory_space<semaphore_mem>>) attributes {dimension_semantics = [#tpu.dimension_semantics<core_parallel>, #tpu.dimension_semantics<subcore_parallel>], iteration_bounds = array<i64: 2, 16>, scalar_prefetch = 0 : i64, scratch_operands = 8 : i64, tpu.core_type = #tpu.core_type<sc_vector_subcore>, window_params = [{transform_indices = #map}, {transform_indices = #map}]} {
    %mul3A = arith.constant 2 : i32
    %mul3A_0 = arith.muli %arg1, %mul3A : i32
    %add3A = arith.addi %mul3A_0, %arg0 : i32
    %mul3A_1 = arith.constant 16 : i32
    %mul3A_2 = arith.muli %add3A, %mul3A_1 : i32
    %iota3A = tpu.iota {dimensions = array<i32: 0>} : vector<16xi32>
    %mul3A_3 = arith.constant 2 : i32
    %mul3A_4 = vector.broadcast %mul3A_3 : i32 to vector<16xi32>
    %mul3A_5 = arith.muli %mul3A_4, %iota3A : vector<16xi32>
    %add3A_6 = arith.constant 0 : i32
    %add3A_7 = vector.broadcast %add3A_6 : i32 to vector<16xi32>
    %add3A_8 = arith.addi %mul3A_5, %add3A_7 : vector<16xi32>
    %mul3A_9 = arith.constant 2 : i32
    %mul3A_10 = vector.broadcast %mul3A_9 : i32 to vector<16xi32>
    %mul3A_11 = arith.muli %mul3A_10, %iota3A : vector<16xi32>
    %add3A_12 = arith.constant 1 : i32
    %add3A_13 = vector.broadcast %add3A_12 : i32 to vector<16xi32>
    %add3A_14 = arith.addi %mul3A_11, %add3A_13 : vector<16xi32>
    %mul3A_15 = arith.constant 2 : i32
    %mul3A_16 = vector.broadcast %mul3A_15 : i32 to vector<16xi32>
    %mul3A_17 = arith.muli %mul3A_16, %iota3A : vector<16xi32>
    %add3A_18 = arith.constant 64 : i32
    %add3A_19 = vector.broadcast %add3A_18 : i32 to vector<16xi32>
    %add3A_20 = arith.addi %mul3A_17, %add3A_19 : vector<16xi32>
    %mul3A_21 = arith.constant 2 : i32
    %mul3A_22 = vector.broadcast %mul3A_21 : i32 to vector<16xi32>
    %mul3A_23 = arith.muli %mul3A_22, %iota3A : vector<16xi32>
    %add3A_24 = arith.constant 65 : i32
    %add3A_25 = vector.broadcast %add3A_24 : i32 to vector<16xi32>
    %add3A_26 = arith.addi %mul3A_23, %add3A_25 : vector<16xi32>
    %dma_start3A = arith.constant 0 : i32
    %dma_start3A_27 = tpu.memref_slice %arg2[%mul3A_2, %dma_start3A] : memref<512x32768xf32, #tpu.memory_space<hbm>> -> memref<1x32768xf32, #tpu.memory_space<hbm>>
    %dma_start3A_28 = tpu.memref_squeeze %dma_start3A_27 : memref<1x32768xf32, #tpu.memory_space<hbm>> -> memref<32768xf32, #tpu.memory_space<hbm>>
    %dma_start3A_29 = arith.constant 0 : i32
    %dma_start3A_30 = tpu.memref_slice %arg2[%mul3A_2, %dma_start3A_29] : memref<512x32768xf32, #tpu.memory_space<hbm>> -> memref<1x32768xf32, #tpu.memory_space<hbm>>
    %dma_start3A_31 = tpu.memref_squeeze %dma_start3A_30 : memref<1x32768xf32, #tpu.memory_space<hbm>> -> memref<32768xf32, #tpu.memory_space<hbm>>
    tpu.enqueue_dma source(%dma_start3A_31 : memref<32768xf32, #tpu.memory_space<hbm>>) target(%arg4 : memref<32768xf32, #tpu.memory_space<vmem>>) target_semaphore(%arg8 : memref<!tpu.dma_semaphore, #tpu.memory_space<semaphore_mem>>)
    %scan3A = arith.constant 0 : i32
    %scan3A_32 = arith.constant 0 : i32
    %scan3A_33 = arith.constant 8 : i32
    %scan3A_34 = arith.addi %scan3A_32, %scan3A_33 : i32
    %scan3A_35 = arith.constant 1 : i32
    %scan3A_36 = scf.for %scan3A_49 = %scan3A_32 to %scan3A_34 step %scan3A_35 iter_args(%scan3A_50 = %scan3A) -> (i32)  : i32 {
      %mul3A_51 = arith.constant 2 : i32
      %mul3A_52 = arith.muli %mul3A_51, %scan3A_49 : i32
      %add3A_53 = arith.constant 0 : i32
      %add3A_54 = arith.addi %mul3A_52, %add3A_53 : i32
      %add3A_55 = arith.addi %mul3A_2, %add3A_54 : i32
      %add3A_56 = arith.constant 1 : i32
      %add3A_57 = arith.addi %add3A_55, %add3A_56 : i32
      %dma_start3A_58 = arith.constant 0 : i32
      %dma_start3A_59 = tpu.memref_slice %arg2[%add3A_57, %dma_start3A_58] : memref<512x32768xf32, #tpu.memory_space<hbm>> -> memref<1x32768xf32, #tpu.memory_space<hbm>>
      %dma_start3A_60 = tpu.memref_squeeze %dma_start3A_59 : memref<1x32768xf32, #tpu.memory_space<hbm>> -> memref<32768xf32, #tpu.memory_space<hbm>>
      %dma_start3A_61 = arith.constant 0 : i32
      %dma_start3A_62 = tpu.memref_slice %arg2[%add3A_57, %dma_start3A_61] : memref<512x32768xf32, #tpu.memory_space<hbm>> -> memref<1x32768xf32, #tpu.memory_space<hbm>>
      %dma_start3A_63 = tpu.memref_squeeze %dma_start3A_62 : memref<1x32768xf32, #tpu.memory_space<hbm>> -> memref<32768xf32, #tpu.memory_space<hbm>>
      tpu.enqueue_dma source(%dma_start3A_63 : memref<32768xf32, #tpu.memory_space<hbm>>) target(%arg5 : memref<32768xf32, #tpu.memory_space<vmem>>) target_semaphore(%arg9 : memref<!tpu.dma_semaphore, #tpu.memory_space<semaphore_mem>>)
      %dma_wait3A_64 = arith.constant 0 : i32
      %dma_wait3A_65 = tpu.memref_slice %arg2[%mul3A_2, %dma_wait3A_64] : memref<512x32768xf32, #tpu.memory_space<hbm>> -> memref<1x32768xf32, #tpu.memory_space<hbm>>
      %dma_wait3A_66 = tpu.memref_squeeze %dma_wait3A_65 : memref<1x32768xf32, #tpu.memory_space<hbm>> -> memref<32768xf32, #tpu.memory_space<hbm>>
      %dma_wait3A_67 = arith.constant 0 : i32
      %dma_wait3A_68 = tpu.memref_slice %arg2[%mul3A_2, %dma_wait3A_67] : memref<512x32768xf32, #tpu.memory_space<hbm>> -> memref<1x32768xf32, #tpu.memory_space<hbm>>
      %dma_wait3A_69 = tpu.memref_squeeze %dma_wait3A_68 : memref<1x32768xf32, #tpu.memory_space<hbm>> -> memref<32768xf32, #tpu.memory_space<hbm>>
      tpu.wait_dma2 semaphore(%arg8 : memref<!tpu.dma_semaphore, #tpu.memory_space<semaphore_mem>>) src(%dma_wait3A_69 : memref<32768xf32, #tpu.memory_space<hbm>>) dst(%arg4 : memref<32768xf32, #tpu.memory_space<vmem>>)
      %ge3A = arith.constant 1 : i32
      %ge3A_70 = arith.cmpi sge, %scan3A_49, %ge3A : i32
      %convert_element_type3A = arith.extui %ge3A_70 : i1 to i32
      %cond3A = arith.constant 0 : i32
      %cond3A_71 = arith.cmpi ne, %convert_element_type3A, %cond3A : i32
      scf.if %cond3A_71 {
        %dma_wait3A_119 = arith.constant 0 : i32
        %dma_wait3A_120 = tpu.memref_slice %arg3[%mul3A_2, %dma_wait3A_119] : memref<512x8192xf32, #tpu.memory_space<hbm>> -> memref<1x8192xf32, #tpu.memory_space<hbm>>
        %dma_wait3A_121 = tpu.memref_squeeze %dma_wait3A_120 : memref<1x8192xf32, #tpu.memory_space<hbm>> -> memref<8192xf32, #tpu.memory_space<hbm>>
        %dma_wait3A_122 = arith.constant 0 : i32
        %dma_wait3A_123 = tpu.memref_slice %arg3[%mul3A_2, %dma_wait3A_122] : memref<512x8192xf32, #tpu.memory_space<hbm>> -> memref<1x8192xf32, #tpu.memory_space<hbm>>
        %dma_wait3A_124 = tpu.memref_squeeze %dma_wait3A_123 : memref<1x8192xf32, #tpu.memory_space<hbm>> -> memref<8192xf32, #tpu.memory_space<hbm>>
        tpu.wait_dma2 semaphore(%arg10 : memref<!tpu.dma_semaphore, #tpu.memory_space<semaphore_mem>>) src(%arg6 : memref<8192xf32, #tpu.memory_space<vmem>>) dst(%dma_wait3A_124 : memref<8192xf32, #tpu.memory_space<hbm>>)
      } else {
      }
      %scan3A_72 = arith.constant 0 : i32
      %scan3A_73 = arith.constant 0 : i32
      %scan3A_74 = arith.constant 256 : i32
      %scan3A_75 = arith.addi %scan3A_73, %scan3A_74 : i32
      %scan3A_76 = arith.constant 8 : i32
      %scan3A_77 = scf.for %scan3A_119 = %scan3A_73 to %scan3A_75 step %scan3A_76 iter_args(%scan3A_120 = %scan3A_72) -> (i32)  : i32 {
        %mul3A_121 = arith.constant 128 : i32
        %mul3A_122 = arith.muli %scan3A_119, %mul3A_121 : i32
        %add3A_123 = arith.constant 0 : i32
        %add3A_124 = arith.addi %mul3A_122, %add3A_123 : i32
        %gather3A = tpu.memref_slice %arg4[%add3A_124] : memref<32768xf32, #tpu.memory_space<vmem>> -> memref<96xf32, #tpu.memory_space<vmem>>
        %gather3A_125 = tpu.vector_load_idx %gather3A[%add3A_8] : memref<96xf32, #tpu.memory_space<vmem>>[vector<16xi32>], vector<16xf32>,
        %gather3A_126 = tpu.memref_slice %arg4[%add3A_124] : memref<32768xf32, #tpu.memory_space<vmem>> -> memref<96xf32, #tpu.memory_space<vmem>>
        %gather3A_127 = tpu.vector_load_idx %gather3A_126[%add3A_14] : memref<96xf32, #tpu.memory_space<vmem>>[vector<16xi32>], vector<16xf32>,
        %gather3A_128 = tpu.memref_slice %arg4[%add3A_124] : memref<32768xf32, #tpu.memory_space<vmem>> -> memref<96xf32, #tpu.memory_space<vmem>>
        %gather3A_129 = tpu.vector_load_idx %gather3A_128[%add3A_20] : memref<96xf32, #tpu.memory_space<vmem>>[vector<16xi32>], vector<16xf32>,
        %gather3A_130 = tpu.memref_slice %arg4[%add3A_124] : memref<32768xf32, #tpu.memory_space<vmem>> -> memref<96xf32, #tpu.memory_space<vmem>>
        %gather3A_131 = tpu.vector_load_idx %gather3A_130[%add3A_26] : memref<96xf32, #tpu.memory_space<vmem>>[vector<16xi32>], vector<16xf32>,
        %add3A_132 = arith.addf %gather3A_125, %gather3A_127 : vector<16xf32>
        %add3A_133 = arith.addf %gather3A_129, %gather3A_131 : vector<16xf32>
        %add3A_134 = arith.addf %add3A_132, %add3A_133 : vector<16xf32>
        %mul3A_135 = arith.constant 2.500000e-01 : f32
        %mul3A_136 = vector.broadcast %mul3A_135 : f32 to vector<16xf32>
        %mul3A_137 = arith.mulf %add3A_134, %mul3A_136 : vector<16xf32>
        %mul3A_138 = arith.constant 32 : i32
        %mul3A_139 = arith.muli %scan3A_119, %mul3A_138 : i32
        %add3A_140 = arith.constant 0 : i32
        %add3A_141 = arith.addi %mul3A_139, %add3A_140 : i32
        %swap3A = arith.index_cast %add3A_141 : i32 to index
        %swap3A_142 = tpu.vector_load %arg6[%swap3A] {strides = array<i32>} : memref<8192xf32, #tpu.memory_space<vmem>>, vector<16xf32>,
        tpu.vector_store %arg6[%swap3A], %mul3A_137 {strides = array<i32>} : memref<8192xf32, #tpu.memory_space<vmem>>, vector<16xf32>,
        %mul3A_143 = arith.constant 128 : i32
        %mul3A_144 = arith.muli %scan3A_119, %mul3A_143 : i32
        %add3A_145 = arith.constant 32 : i32
        %add3A_146 = arith.addi %mul3A_144, %add3A_145 : i32
        %gather3A_147 = tpu.memref_slice %arg4[%add3A_146] : memref<32768xf32, #tpu.memory_space<vmem>> -> memref<96xf32, #tpu.memory_space<vmem>>
        %gather3A_148 = tpu.vector_load_idx %gather3A_147[%add3A_8] : memref<96xf32, #tpu.memory_space<vmem>>[vector<16xi32>], vector<16xf32>,
        %gather3A_149 = tpu.memref_slice %arg4[%add3A_146] : memref<32768xf32, #tpu.memory_space<vmem>> -> memref<96xf32, #tpu.memory_space<vmem>>
        %gather3A_150 = tpu.vector_load_idx %gather3A_149[%add3A_14] : memref<96xf32, #tpu.memory_space<vmem>>[vector<16xi32>], vector<16xf32>,
        %gather3A_151 = tpu.memref_slice %arg4[%add3A_146] : memref<32768xf32, #tpu.memory_space<vmem>> -> memref<96xf32, #tpu.memory_space<vmem>>
        %gather3A_152 = tpu.vector_load_idx %gather3A_151[%add3A_20] : memref<96xf32, #tpu.memory_space<vmem>>[vector<16xi32>], vector<16xf32>,
        %gather3A_153 = tpu.memref_slice %arg4[%add3A_146] : memref<32768xf32, #tpu.memory_space<vmem>> -> memref<96xf32, #tpu.memory_space<vmem>>
        %gather3A_154 = tpu.vector_load_idx %gather3A_153[%add3A_26] : memref<96xf32, #tpu.memory_space<vmem>>[vector<16xi32>], vector<16xf32>,
        %add3A_155 = arith.addf %gather3A_148, %gather3A_150 : vector<16xf32>
        %add3A_156 = arith.addf %gather3A_152, %gather3A_154 : vector<16xf32>
        %add3A_157 = arith.addf %add3A_155, %add3A_156 : vector<16xf32>
        %mul3A_158 = arith.constant 2.500000e-01 : f32
        %mul3A_159 = vector.broadcast %mul3A_158 : f32 to vector<16xf32>
        %mul3A_160 = arith.mulf %add3A_157, %mul3A_159 : vector<16xf32>
        %mul3A_161 = arith.constant 32 : i32
        %mul3A_162 = arith.muli %scan3A_119, %mul3A_161 : i32
        %add3A_163 = arith.constant 16 : i32
        %add3A_164 = arith.addi %mul3A_162, %add3A_163 : i32
        %swap3A_165 = arith.index_cast %add3A_164 : i32 to index
        %swap3A_166 = tpu.vector_load %arg6[%swap3A_165] {strides = array<i32>} : memref<8192xf32, #tpu.memory_space<vmem>>, vector<16xf32>,
        tpu.vector_store %arg6[%swap3A_165], %mul3A_160 {strides = array<i32>} : memref<8192xf32, #tpu.memory_space<vmem>>, vector<16xf32>,
        %scan3A_167 = arith.constant 0 : i32
        %scan3A_168 = arith.constant 1 : i32
        %scan3A_169 = arith.addi %scan3A_119, %scan3A_168 : i32
        %mul3A_170 = arith.constant 128 : i32
        %mul3A_171 = arith.muli %scan3A_169, %mul3A_170 : i32
        %add3A_172 = arith.constant 0 : i32
        %add3A_173 = arith.addi %mul3A_171, %add3A_172 : i32
        %gather3A_174 = tpu.memref_slice %arg4[%add3A_173] : memref<32768xf32, #tpu.memory_space<vmem>> -> memref<96xf32, #tpu.memory_space<vmem>>
        %gather3A_175 = tpu.vector_load_idx %gather3A_174[%add3A_8] : memref<96xf32, #tpu.memory_space<vmem>>[vector<16xi32>], vector<16xf32>,
        %gather3A_176 = tpu.memref_slice %arg4[%add3A_173] : memref<32768xf32, #tpu.memory_space<vmem>> -> memref<96xf32, #tpu.memory_space<vmem>>
        %gather3A_177 = tpu.vector_load_idx %gather3A_176[%add3A_14] : memref<96xf32, #tpu.memory_space<vmem>>[vector<16xi32>], vector<16xf32>,
        %gather3A_178 = tpu.memref_slice %arg4[%add3A_173] : memref<32768xf32, #tpu.memory_space<vmem>> -> memref<96xf32, #tpu.memory_space<vmem>>
        %gather3A_179 = tpu.vector_load_idx %gather3A_178[%add3A_20] : memref<96xf32, #tpu.memory_space<vmem>>[vector<16xi32>], vector<16xf32>,
        %gather3A_180 = tpu.memref_slice %arg4[%add3A_173] : memref<32768xf32, #tpu.memory_space<vmem>> -> memref<96xf32, #tpu.memory_space<vmem>>
        %gather3A_181 = tpu.vector_load_idx %gather3A_180[%add3A_26] : memref<96xf32, #tpu.memory_space<vmem>>[vector<16xi32>], vector<16xf32>,
        %add3A_182 = arith.addf %gather3A_175, %gather3A_177 : vector<16xf32>
        %add3A_183 = arith.addf %gather3A_179, %gather3A_181 : vector<16xf32>
        %add3A_184 = arith.addf %add3A_182, %add3A_183 : vector<16xf32>
        %mul3A_185 = arith.constant 2.500000e-01 : f32
        %mul3A_186 = vector.broadcast %mul3A_185 : f32 to vector<16xf32>
        %mul3A_187 = arith.mulf %add3A_184, %mul3A_186 : vector<16xf32>
        %mul3A_188 = arith.constant 32 : i32
        %mul3A_189 = arith.muli %scan3A_169, %mul3A_188 : i32
        %add3A_190 = arith.constant 0 : i32
        %add3A_191 = arith.addi %mul3A_189, %add3A_190 : i32
        %swap3A_192 = arith.index_cast %add3A_191 : i32 to index
        %swap3A_193 = tpu.vector_load %arg6[%swap3A_192] {strides = array<i32>} : memref<8192xf32, #tpu.memory_space<vmem>>, vector<16xf32>,
        tpu.vector_store %arg6[%swap3A_192], %mul3A_187 {strides = array<i32>} : memref<8192xf32, #tpu.memory_space<vmem>>, vector<16xf32>,
        %mul3A_194 = arith.constant 128 : i32
        %mul3A_195 = arith.muli %scan3A_169, %mul3A_194 : i32
        %add3A_196 = arith.constant 32 : i32
        %add3A_197 = arith.addi %mul3A_195, %add3A_196 : i32
        %gather3A_198 = tpu.memref_slice %arg4[%add3A_197] : memref<32768xf32, #tpu.memory_space<vmem>> -> memref<96xf32, #tpu.memory_space<vmem>>
        %gather3A_199 = tpu.vector_load_idx %gather3A_198[%add3A_8] : memref<96xf32, #tpu.memory_space<vmem>>[vector<16xi32>], vector<16xf32>,
        %gather3A_200 = tpu.memref_slice %arg4[%add3A_197] : memref<32768xf32, #tpu.memory_space<vmem>> -> memref<96xf32, #tpu.memory_space<vmem>>
        %gather3A_201 = tpu.vector_load_idx %gather3A_200[%add3A_14] : memref<96xf32, #tpu.memory_space<vmem>>[vector<16xi32>], vector<16xf32>,
        %gather3A_202 = tpu.memref_slice %arg4[%add3A_197] : memref<32768xf32, #tpu.memory_space<vmem>> -> memref<96xf32, #tpu.memory_space<vmem>>
        %gather3A_203 = tpu.vector_load_idx %gather3A_202[%add3A_20] : memref<96xf32, #tpu.memory_space<vmem>>[vector<16xi32>], vector<16xf32>,
        %gather3A_204 = tpu.memref_slice %arg4[%add3A_197] : memref<32768xf32, #tpu.memory_space<vmem>> -> memref<96xf32, #tpu.memory_space<vmem>>
        %gather3A_205 = tpu.vector_load_idx %gather3A_204[%add3A_26] : memref<96xf32, #tpu.memory_space<vmem>>[vector<16xi32>], vector<16xf32>,
        %add3A_206 = arith.addf %gather3A_199, %gather3A_201 : vector<16xf32>
        %add3A_207 = arith.addf %gather3A_203, %gather3A_205 : vector<16xf32>
        %add3A_208 = arith.addf %add3A_206, %add3A_207 : vector<16xf32>
        %mul3A_209 = arith.constant 2.500000e-01 : f32
        %mul3A_210 = vector.broadcast %mul3A_209 : f32 to vector<16xf32>
        %mul3A_211 = arith.mulf %add3A_208, %mul3A_210 : vector<16xf32>
        %mul3A_212 = arith.constant 32 : i32
        %mul3A_213 = arith.muli %scan3A_169, %mul3A_212 : i32
        %add3A_214 = arith.constant 16 : i32
        %add3A_215 = arith.addi %mul3A_213, %add3A_214 : i32
        %swap3A_216 = arith.index_cast %add3A_215 : i32 to index
        %swap3A_217 = tpu.vector_load %arg6[%swap3A_216] {strides = array<i32>} : memref<8192xf32, #tpu.memory_space<vmem>>, vector<16xf32>,
        tpu.vector_store %arg6[%swap3A_216], %mul3A_211 {strides = array<i32>} : memref<8192xf32, #tpu.memory_space<vmem>>, vector<16xf32>,
        %scan3A_218 = arith.constant 0 : i32
        %scan3A_219 = arith.constant 2 : i32
        %scan3A_220 = arith.addi %scan3A_119, %scan3A_219 : i32
        %mul3A_221 = arith.constant 128 : i32
        %mul3A_222 = arith.muli %scan3A_220, %mul3A_221 : i32
        %add3A_223 = arith.constant 0 : i32
        %add3A_224 = arith.addi %mul3A_222, %add3A_223 : i32
        %gather3A_225 = tpu.memref_slice %arg4[%add3A_224] : memref<32768xf32, #tpu.memory_space<vmem>> -> memref<96xf32, #tpu.memory_space<vmem>>
        %gather3A_226 = tpu.vector_load_idx %gather3A_225[%add3A_8] : memref<96xf32, #tpu.memory_space<vmem>>[vector<16xi32>], vector<16xf32>,
        %gather3A_227 = tpu.memref_slice %arg4[%add3A_224] : memref<32768xf32, #tpu.memory_space<vmem>> -> memref<96xf32, #tpu.memory_space<vmem>>
        %gather3A_228 = tpu.vector_load_idx %gather3A_227[%add3A_14] : memref<96xf32, #tpu.memory_space<vmem>>[vector<16xi32>], vector<16xf32>,
        %gather3A_229 = tpu.memref_slice %arg4[%add3A_224] : memref<32768xf32, #tpu.memory_space<vmem>> -> memref<96xf32, #tpu.memory_space<vmem>>
        %gather3A_230 = tpu.vector_load_idx %gather3A_229[%add3A_20] : memref<96xf32, #tpu.memory_space<vmem>>[vector<16xi32>], vector<16xf32>,
        %gather3A_231 = tpu.memref_slice %arg4[%add3A_224] : memref<32768xf32, #tpu.memory_space<vmem>> -> memref<96xf32, #tpu.memory_space<vmem>>
        %gather3A_232 = tpu.vector_load_idx %gather3A_231[%add3A_26] : memref<96xf32, #tpu.memory_space<vmem>>[vector<16xi32>], vector<16xf32>,
        %add3A_233 = arith.addf %gather3A_226, %gather3A_228 : vector<16xf32>
        %add3A_234 = arith.addf %gather3A_230, %gather3A_232 : vector<16xf32>
        %add3A_235 = arith.addf %add3A_233, %add3A_234 : vector<16xf32>
        %mul3A_236 = arith.constant 2.500000e-01 : f32
        %mul3A_237 = vector.broadcast %mul3A_236 : f32 to vector<16xf32>
        %mul3A_238 = arith.mulf %add3A_235, %mul3A_237 : vector<16xf32>
        %mul3A_239 = arith.constant 32 : i32
        %mul3A_240 = arith.muli %scan3A_220, %mul3A_239 : i32
        %add3A_241 = arith.constant 0 : i32
        %add3A_242 = arith.addi %mul3A_240, %add3A_241 : i32
        %swap3A_243 = arith.index_cast %add3A_242 : i32 to index
        %swap3A_244 = tpu.vector_load %arg6[%swap3A_243] {strides = array<i32>} : memref<8192xf32, #tpu.memory_space<vmem>>, vector<16xf32>,
        tpu.vector_store %arg6[%swap3A_243], %mul3A_238 {strides = array<i32>} : memref<8192xf32, #tpu.memory_space<vmem>>, vector<16xf32>,
        %mul3A_245 = arith.constant 128 : i32
        %mul3A_246 = arith.muli %scan3A_220, %mul3A_245 : i32
        %add3A_247 = arith.constant 32 : i32
        %add3A_248 = arith.addi %mul3A_246, %add3A_247 : i32
        %gather3A_249 = tpu.memref_slice %arg4[%add3A_248] : memref<32768xf32, #tpu.memory_space<vmem>> -> memref<96xf32, #tpu.memory_space<vmem>>
        %gather3A_250 = tpu.vector_load_idx %gather3A_249[%add3A_8] : memref<96xf32, #tpu.memory_space<vmem>>[vector<16xi32>], vector<16xf32>,
        %gather3A_251 = tpu.memref_slice %arg4[%add3A_248] : memref<32768xf32, #tpu.memory_space<vmem>> -> memref<96xf32, #tpu.memory_space<vmem>>
        %gather3A_252 = tpu.vector_load_idx %gather3A_251[%add3A_14] : memref<96xf32, #tpu.memory_space<vmem>>[vector<16xi32>], vector<16xf32>,
        %gather3A_253 = tpu.memref_slice %arg4[%add3A_248] : memref<32768xf32, #tpu.memory_space<vmem>> -> memref<96xf32, #tpu.memory_space<vmem>>
        %gather3A_254 = tpu.vector_load_idx %gather3A_253[%add3A_20] : memref<96xf32, #tpu.memory_space<vmem>>[vector<16xi32>], vector<16xf32>,
        %gather3A_255 = tpu.memref_slice %arg4[%add3A_248] : memref<32768xf32, #tpu.memory_space<vmem>> -> memref<96xf32, #tpu.memory_space<vmem>>
        %gather3A_256 = tpu.vector_load_idx %gather3A_255[%add3A_26] : memref<96xf32, #tpu.memory_space<vmem>>[vector<16xi32>], vector<16xf32>,
        %add3A_257 = arith.addf %gather3A_250, %gather3A_252 : vector<16xf32>
        %add3A_258 = arith.addf %gather3A_254, %gather3A_256 : vector<16xf32>
        %add3A_259 = arith.addf %add3A_257, %add3A_258 : vector<16xf32>
        %mul3A_260 = arith.constant 2.500000e-01 : f32
        %mul3A_261 = vector.broadcast %mul3A_260 : f32 to vector<16xf32>
        %mul3A_262 = arith.mulf %add3A_259, %mul3A_261 : vector<16xf32>
        %mul3A_263 = arith.constant 32 : i32
        %mul3A_264 = arith.muli %scan3A_220, %mul3A_263 : i32
        %add3A_265 = arith.constant 16 : i32
        %add3A_266 = arith.addi %mul3A_264, %add3A_265 : i32
        %swap3A_267 = arith.index_cast %add3A_266 : i32 to index
        %swap3A_268 = tpu.vector_load %arg6[%swap3A_267] {strides = array<i32>} : memref<8192xf32, #tpu.memory_space<vmem>>, vector<16xf32>,
        tpu.vector_store %arg6[%swap3A_267], %mul3A_262 {strides = array<i32>} : memref<8192xf32, #tpu.memory_space<vmem>>, vector<16xf32>,
        %scan3A_269 = arith.constant 0 : i32
        %scan3A_270 = arith.constant 3 : i32
        %scan3A_271 = arith.addi %scan3A_119, %scan3A_270 : i32
        %mul3A_272 = arith.constant 128 : i32
        %mul3A_273 = arith.muli %scan3A_271, %mul3A_272 : i32
        %add3A_274 = arith.constant 0 : i32
        %add3A_275 = arith.addi %mul3A_273, %add3A_274 : i32
        %gather3A_276 = tpu.memref_slice %arg4[%add3A_275] : memref<32768xf32, #tpu.memory_space<vmem>> -> memref<96xf32, #tpu.memory_space<vmem>>
        %gather3A_277 = tpu.vector_load_idx %gather3A_276[%add3A_8] : memref<96xf32, #tpu.memory_space<vmem>>[vector<16xi32>], vector<16xf32>,
        %gather3A_278 = tpu.memref_slice %arg4[%add3A_275] : memref<32768xf32, #tpu.memory_space<vmem>> -> memref<96xf32, #tpu.memory_space<vmem>>
        %gather3A_279 = tpu.vector_load_idx %gather3A_278[%add3A_14] : memref<96xf32, #tpu.memory_space<vmem>>[vector<16xi32>], vector<16xf32>,
        %gather3A_280 = tpu.memref_slice %arg4[%add3A_275] : memref<32768xf32, #tpu.memory_space<vmem>> -> memref<96xf32, #tpu.memory_space<vmem>>
        %gather3A_281 = tpu.vector_load_idx %gather3A_280[%add3A_20] : memref<96xf32, #tpu.memory_space<vmem>>[vector<16xi32>], vector<16xf32>,
        %gather3A_282 = tpu.memref_slice %arg4[%add3A_275] : memref<32768xf32, #tpu.memory_space<vmem>> -> memref<96xf32, #tpu.memory_space<vmem>>
        %gather3A_283 = tpu.vector_load_idx %gather3A_282[%add3A_26] : memref<96xf32, #tpu.memory_space<vmem>>[vector<16xi32>], vector<16xf32>,
        %add3A_284 = arith.addf %gather3A_277, %gather3A_279 : vector<16xf32>
        %add3A_285 = arith.addf %gather3A_281, %gather3A_283 : vector<16xf32>
        %add3A_286 = arith.addf %add3A_284, %add3A_285 : vector<16xf32>
        %mul3A_287 = arith.constant 2.500000e-01 : f32
        %mul3A_288 = vector.broadcast %mul3A_287 : f32 to vector<16xf32>
        %mul3A_289 = arith.mulf %add3A_286, %mul3A_288 : vector<16xf32>
        %mul3A_290 = arith.constant 32 : i32
        %mul3A_291 = arith.muli %scan3A_271, %mul3A_290 : i32
        %add3A_292 = arith.constant 0 : i32
        %add3A_293 = arith.addi %mul3A_291, %add3A_292 : i32
        %swap3A_294 = arith.index_cast %add3A_293 : i32 to index
        %swap3A_295 = tpu.vector_load %arg6[%swap3A_294] {strides = array<i32>} : memref<8192xf32, #tpu.memory_space<vmem>>, vector<16xf32>,
        tpu.vector_store %arg6[%swap3A_294], %mul3A_289 {strides = array<i32>} : memref<8192xf32, #tpu.memory_space<vmem>>, vector<16xf32>,
        %mul3A_296 = arith.constant 128 : i32
        %mul3A_297 = arith.muli %scan3A_271, %mul3A_296 : i32
        %add3A_298 = arith.constant 32 : i32
        %add3A_299 = arith.addi %mul3A_297, %add3A_298 : i32
        %gather3A_300 = tpu.memref_slice %arg4[%add3A_299] : memref<32768xf32, #tpu.memory_space<vmem>> -> memref<96xf32, #tpu.memory_space<vmem>>
        %gather3A_301 = tpu.vector_load_idx %gather3A_300[%add3A_8] : memref<96xf32, #tpu.memory_space<vmem>>[vector<16xi32>], vector<16xf32>,
        %gather3A_302 = tpu.memref_slice %arg4[%add3A_299] : memref<32768xf32, #tpu.memory_space<vmem>> -> memref<96xf32, #tpu.memory_space<vmem>>
        %gather3A_303 = tpu.vector_load_idx %gather3A_302[%add3A_14] : memref<96xf32, #tpu.memory_space<vmem>>[vector<16xi32>], vector<16xf32>,
        %gather3A_304 = tpu.memref_slice %arg4[%add3A_299] : memref<32768xf32, #tpu.memory_space<vmem>> -> memref<96xf32, #tpu.memory_space<vmem>>
        %gather3A_305 = tpu.vector_load_idx %gather3A_304[%add3A_20] : memref<96xf32, #tpu.memory_space<vmem>>[vector<16xi32>], vector<16xf32>,
        %gather3A_306 = tpu.memref_slice %arg4[%add3A_299] : memref<32768xf32, #tpu.memory_space<vmem>> -> memref<96xf32, #tpu.memory_space<vmem>>
        %gather3A_307 = tpu.vector_load_idx %gather3A_306[%add3A_26] : memref<96xf32, #tpu.memory_space<vmem>>[vector<16xi32>], vector<16xf32>,
        %add3A_308 = arith.addf %gather3A_301, %gather3A_303 : vector<16xf32>
        %add3A_309 = arith.addf %gather3A_305, %gather3A_307 : vector<16xf32>
        %add3A_310 = arith.addf %add3A_308, %add3A_309 : vector<16xf32>
        %mul3A_311 = arith.constant 2.500000e-01 : f32
        %mul3A_312 = vector.broadcast %mul3A_311 : f32 to vector<16xf32>
        %mul3A_313 = arith.mulf %add3A_310, %mul3A_312 : vector<16xf32>
        %mul3A_314 = arith.constant 32 : i32
        %mul3A_315 = arith.muli %scan3A_271, %mul3A_314 : i32
        %add3A_316 = arith.constant 16 : i32
        %add3A_317 = arith.addi %mul3A_315, %add3A_316 : i32
        %swap3A_318 = arith.index_cast %add3A_317 : i32 to index
        %swap3A_319 = tpu.vector_load %arg6[%swap3A_318] {strides = array<i32>} : memref<8192xf32, #tpu.memory_space<vmem>>, vector<16xf32>,
        tpu.vector_store %arg6[%swap3A_318], %mul3A_313 {strides = array<i32>} : memref<8192xf32, #tpu.memory_space<vmem>>, vector<16xf32>,
        %scan3A_320 = arith.constant 0 : i32
        %scan3A_321 = arith.constant 4 : i32
        %scan3A_322 = arith.addi %scan3A_119, %scan3A_321 : i32
        %mul3A_323 = arith.constant 128 : i32
        %mul3A_324 = arith.muli %scan3A_322, %mul3A_323 : i32
        %add3A_325 = arith.constant 0 : i32
        %add3A_326 = arith.addi %mul3A_324, %add3A_325 : i32
        %gather3A_327 = tpu.memref_slice %arg4[%add3A_326] : memref<32768xf32, #tpu.memory_space<vmem>> -> memref<96xf32, #tpu.memory_space<vmem>>
        %gather3A_328 = tpu.vector_load_idx %gather3A_327[%add3A_8] : memref<96xf32, #tpu.memory_space<vmem>>[vector<16xi32>], vector<16xf32>,
        %gather3A_329 = tpu.memref_slice %arg4[%add3A_326] : memref<32768xf32, #tpu.memory_space<vmem>> -> memref<96xf32, #tpu.memory_space<vmem>>
        %gather3A_330 = tpu.vector_load_idx %gather3A_329[%add3A_14] : memref<96xf32, #tpu.memory_space<vmem>>[vector<16xi32>], vector<16xf32>,
        %gather3A_331 = tpu.memref_slice %arg4[%add3A_326] : memref<32768xf32, #tpu.memory_space<vmem>> -> memref<96xf32, #tpu.memory_space<vmem>>
        %gather3A_332 = tpu.vector_load_idx %gather3A_331[%add3A_20] : memref<96xf32, #tpu.memory_space<vmem>>[vector<16xi32>], vector<16xf32>,
        %gather3A_333 = tpu.memref_slice %arg4[%add3A_326] : memref<32768xf32, #tpu.memory_space<vmem>> -> memref<96xf32, #tpu.memory_space<vmem>>
        %gather3A_334 = tpu.vector_load_idx %gather3A_333[%add3A_26] : memref<96xf32, #tpu.memory_space<vmem>>[vector<16xi32>], vector<16xf32>,
        %add3A_335 = arith.addf %gather3A_328, %gather3A_330 : vector<16xf32>
        %add3A_336 = arith.addf %gather3A_332, %gather3A_334 : vector<16xf32>
        %add3A_337 = arith.addf %add3A_335, %add3A_336 : vector<16xf32>
        %mul3A_338 = arith.constant 2.500000e-01 : f32
        %mul3A_339 = vector.broadcast %mul3A_338 : f32 to vector<16xf32>
        %mul3A_340 = arith.mulf %add3A_337, %mul3A_339 : vector<16xf32>
        %mul3A_341 = arith.constant 32 : i32
        %mul3A_342 = arith.muli %scan3A_322, %mul3A_341 : i32
        %add3A_343 = arith.constant 0 : i32
        %add3A_344 = arith.addi %mul3A_342, %add3A_343 : i32
        %swap3A_345 = arith.index_cast %add3A_344 : i32 to index
        %swap3A_346 = tpu.vector_load %arg6[%swap3A_345] {strides = array<i32>} : memref<8192xf32, #tpu.memory_space<vmem>>, vector<16xf32>,
        tpu.vector_store %arg6[%swap3A_345], %mul3A_340 {strides = array<i32>} : memref<8192xf32, #tpu.memory_space<vmem>>, vector<16xf32>,
        %mul3A_347 = arith.constant 128 : i32
        %mul3A_348 = arith.muli %scan3A_322, %mul3A_347 : i32
        %add3A_349 = arith.constant 32 : i32
        %add3A_350 = arith.addi %mul3A_348, %add3A_349 : i32
        %gather3A_351 = tpu.memref_slice %arg4[%add3A_350] : memref<32768xf32, #tpu.memory_space<vmem>> -> memref<96xf32, #tpu.memory_space<vmem>>
        %gather3A_352 = tpu.vector_load_idx %gather3A_351[%add3A_8] : memref<96xf32, #tpu.memory_space<vmem>>[vector<16xi32>], vector<16xf32>,
        %gather3A_353 = tpu.memref_slice %arg4[%add3A_350] : memref<32768xf32, #tpu.memory_space<vmem>> -> memref<96xf32, #tpu.memory_space<vmem>>
        %gather3A_354 = tpu.vector_load_idx %gather3A_353[%add3A_14] : memref<96xf32, #tpu.memory_space<vmem>>[vector<16xi32>], vector<16xf32>,
        %gather3A_355 = tpu.memref_slice %arg4[%add3A_350] : memref<32768xf32, #tpu.memory_space<vmem>> -> memref<96xf32, #tpu.memory_space<vmem>>
        %gather3A_356 = tpu.vector_load_idx %gather3A_355[%add3A_20] : memref<96xf32, #tpu.memory_space<vmem>>[vector<16xi32>], vector<16xf32>,
        %gather3A_357 = tpu.memref_slice %arg4[%add3A_350] : memref<32768xf32, #tpu.memory_space<vmem>> -> memref<96xf32, #tpu.memory_space<vmem>>
        %gather3A_358 = tpu.vector_load_idx %gather3A_357[%add3A_26] : memref<96xf32, #tpu.memory_space<vmem>>[vector<16xi32>], vector<16xf32>,
        %add3A_359 = arith.addf %gather3A_352, %gather3A_354 : vector<16xf32>
        %add3A_360 = arith.addf %gather3A_356, %gather3A_358 : vector<16xf32>
        %add3A_361 = arith.addf %add3A_359, %add3A_360 : vector<16xf32>
        %mul3A_362 = arith.constant 2.500000e-01 : f32
        %mul3A_363 = vector.broadcast %mul3A_362 : f32 to vector<16xf32>
        %mul3A_364 = arith.mulf %add3A_361, %mul3A_363 : vector<16xf32>
        %mul3A_365 = arith.constant 32 : i32
        %mul3A_366 = arith.muli %scan3A_322, %mul3A_365 : i32
        %add3A_367 = arith.constant 16 : i32
        %add3A_368 = arith.addi %mul3A_366, %add3A_367 : i32
        %swap3A_369 = arith.index_cast %add3A_368 : i32 to index
        %swap3A_370 = tpu.vector_load %arg6[%swap3A_369] {strides = array<i32>} : memref<8192xf32, #tpu.memory_space<vmem>>, vector<16xf32>,
        tpu.vector_store %arg6[%swap3A_369], %mul3A_364 {strides = array<i32>} : memref<8192xf32, #tpu.memory_space<vmem>>, vector<16xf32>,
        %scan3A_371 = arith.constant 0 : i32
        %scan3A_372 = arith.constant 5 : i32
        %scan3A_373 = arith.addi %scan3A_119, %scan3A_372 : i32
        %mul3A_374 = arith.constant 128 : i32
        %mul3A_375 = arith.muli %scan3A_373, %mul3A_374 : i32
        %add3A_376 = arith.constant 0 : i32
        %add3A_377 = arith.addi %mul3A_375, %add3A_376 : i32
        %gather3A_378 = tpu.memref_slice %arg4[%add3A_377] : memref<32768xf32, #tpu.memory_space<vmem>> -> memref<96xf32, #tpu.memory_space<vmem>>
        %gather3A_379 = tpu.vector_load_idx %gather3A_378[%add3A_8] : memref<96xf32, #tpu.memory_space<vmem>>[vector<16xi32>], vector<16xf32>,
        %gather3A_380 = tpu.memref_slice %arg4[%add3A_377] : memref<32768xf32, #tpu.memory_space<vmem>> -> memref<96xf32, #tpu.memory_space<vmem>>
        %gather3A_381 = tpu.vector_load_idx %gather3A_380[%add3A_14] : memref<96xf32, #tpu.memory_space<vmem>>[vector<16xi32>], vector<16xf32>,
        %gather3A_382 = tpu.memref_slice %arg4[%add3A_377] : memref<32768xf32, #tpu.memory_space<vmem>> -> memref<96xf32, #tpu.memory_space<vmem>>
        %gather3A_383 = tpu.vector_load_idx %gather3A_382[%add3A_20] : memref<96xf32, #tpu.memory_space<vmem>>[vector<16xi32>], vector<16xf32>,
        %gather3A_384 = tpu.memref_slice %arg4[%add3A_377] : memref<32768xf32, #tpu.memory_space<vmem>> -> memref<96xf32, #tpu.memory_space<vmem>>
        %gather3A_385 = tpu.vector_load_idx %gather3A_384[%add3A_26] : memref<96xf32, #tpu.memory_space<vmem>>[vector<16xi32>], vector<16xf32>,
        %add3A_386 = arith.addf %gather3A_379, %gather3A_381 : vector<16xf32>
        %add3A_387 = arith.addf %gather3A_383, %gather3A_385 : vector<16xf32>
        %add3A_388 = arith.addf %add3A_386, %add3A_387 : vector<16xf32>
        %mul3A_389 = arith.constant 2.500000e-01 : f32
        %mul3A_390 = vector.broadcast %mul3A_389 : f32 to vector<16xf32>
        %mul3A_391 = arith.mulf %add3A_388, %mul3A_390 : vector<16xf32>
        %mul3A_392 = arith.constant 32 : i32
        %mul3A_393 = arith.muli %scan3A_373, %mul3A_392 : i32
        %add3A_394 = arith.constant 0 : i32
        %add3A_395 = arith.addi %mul3A_393, %add3A_394 : i32
        %swap3A_396 = arith.index_cast %add3A_395 : i32 to index
        %swap3A_397 = tpu.vector_load %arg6[%swap3A_396] {strides = array<i32>} : memref<8192xf32, #tpu.memory_space<vmem>>, vector<16xf32>,
        tpu.vector_store %arg6[%swap3A_396], %mul3A_391 {strides = array<i32>} : memref<8192xf32, #tpu.memory_space<vmem>>, vector<16xf32>,
        %mul3A_398 = arith.constant 128 : i32
        %mul3A_399 = arith.muli %scan3A_373, %mul3A_398 : i32
        %add3A_400 = arith.constant 32 : i32
        %add3A_401 = arith.addi %mul3A_399, %add3A_400 : i32
        %gather3A_402 = tpu.memref_slice %arg4[%add3A_401] : memref<32768xf32, #tpu.memory_space<vmem>> -> memref<96xf32, #tpu.memory_space<vmem>>
        %gather3A_403 = tpu.vector_load_idx %gather3A_402[%add3A_8] : memref<96xf32, #tpu.memory_space<vmem>>[vector<16xi32>], vector<16xf32>,
        %gather3A_404 = tpu.memref_slice %arg4[%add3A_401] : memref<32768xf32, #tpu.memory_space<vmem>> -> memref<96xf32, #tpu.memory_space<vmem>>
        %gather3A_405 = tpu.vector_load_idx %gather3A_404[%add3A_14] : memref<96xf32, #tpu.memory_space<vmem>>[vector<16xi32>], vector<16xf32>,
        %gather3A_406 = tpu.memref_slice %arg4[%add3A_401] : memref<32768xf32, #tpu.memory_space<vmem>> -> memref<96xf32, #tpu.memory_space<vmem>>
        %gather3A_407 = tpu.vector_load_idx %gather3A_406[%add3A_20] : memref<96xf32, #tpu.memory_space<vmem>>[vector<16xi32>], vector<16xf32>,
        %gather3A_408 = tpu.memref_slice %arg4[%add3A_401] : memref<32768xf32, #tpu.memory_space<vmem>> -> memref<96xf32, #tpu.memory_space<vmem>>
        %gather3A_409 = tpu.vector_load_idx %gather3A_408[%add3A_26] : memref<96xf32, #tpu.memory_space<vmem>>[vector<16xi32>], vector<16xf32>,
        %add3A_410 = arith.addf %gather3A_403, %gather3A_405 : vector<16xf32>
        %add3A_411 = arith.addf %gather3A_407, %gather3A_409 : vector<16xf32>
        %add3A_412 = arith.addf %add3A_410, %add3A_411 : vector<16xf32>
        %mul3A_413 = arith.constant 2.500000e-01 : f32
        %mul3A_414 = vector.broadcast %mul3A_413 : f32 to vector<16xf32>
        %mul3A_415 = arith.mulf %add3A_412, %mul3A_414 : vector<16xf32>
        %mul3A_416 = arith.constant 32 : i32
        %mul3A_417 = arith.muli %scan3A_373, %mul3A_416 : i32
        %add3A_418 = arith.constant 16 : i32
        %add3A_419 = arith.addi %mul3A_417, %add3A_418 : i32
        %swap3A_420 = arith.index_cast %add3A_419 : i32 to index
        %swap3A_421 = tpu.vector_load %arg6[%swap3A_420] {strides = array<i32>} : memref<8192xf32, #tpu.memory_space<vmem>>, vector<16xf32>,
        tpu.vector_store %arg6[%swap3A_420], %mul3A_415 {strides = array<i32>} : memref<8192xf32, #tpu.memory_space<vmem>>, vector<16xf32>,
        %scan3A_422 = arith.constant 0 : i32
        %scan3A_423 = arith.constant 6 : i32
        %scan3A_424 = arith.addi %scan3A_119, %scan3A_423 : i32
        %mul3A_425 = arith.constant 128 : i32
        %mul3A_426 = arith.muli %scan3A_424, %mul3A_425 : i32
        %add3A_427 = arith.constant 0 : i32
        %add3A_428 = arith.addi %mul3A_426, %add3A_427 : i32
        %gather3A_429 = tpu.memref_slice %arg4[%add3A_428] : memref<32768xf32, #tpu.memory_space<vmem>> -> memref<96xf32, #tpu.memory_space<vmem>>
        %gather3A_430 = tpu.vector_load_idx %gather3A_429[%add3A_8] : memref<96xf32, #tpu.memory_space<vmem>>[vector<16xi32>], vector<16xf32>,
        %gather3A_431 = tpu.memref_slice %arg4[%add3A_428] : memref<32768xf32, #tpu.memory_space<vmem>> -> memref<96xf32, #tpu.memory_space<vmem>>
        %gather3A_432 = tpu.vector_load_idx %gather3A_431[%add3A_14] : memref<96xf32, #tpu.memory_space<vmem>>[vector<16xi32>], vector<16xf32>,
        %gather3A_433 = tpu.memref_slice %arg4[%add3A_428] : memref<32768xf32, #tpu.memory_space<vmem>> -> memref<96xf32, #tpu.memory_space<vmem>>
        %gather3A_434 = tpu.vector_load_idx %gather3A_433[%add3A_20] : memref<96xf32, #tpu.memory_space<vmem>>[vector<16xi32>], vector<16xf32>,
        %gather3A_435 = tpu.memref_slice %arg4[%add3A_428] : memref<32768xf32, #tpu.memory_space<vmem>> -> memref<96xf32, #tpu.memory_space<vmem>>
        %gather3A_436 = tpu.vector_load_idx %gather3A_435[%add3A_26] : memref<96xf32, #tpu.memory_space<vmem>>[vector<16xi32>], vector<16xf32>,
        %add3A_437 = arith.addf %gather3A_430, %gather3A_432 : vector<16xf32>
        %add3A_438 = arith.addf %gather3A_434, %gather3A_436 : vector<16xf32>
        %add3A_439 = arith.addf %add3A_437, %add3A_438 : vector<16xf32>
        %mul3A_440 = arith.constant 2.500000e-01 : f32
        %mul3A_441 = vector.broadcast %mul3A_440 : f32 to vector<16xf32>
        %mul3A_442 = arith.mulf %add3A_439, %mul3A_441 : vector<16xf32>
        %mul3A_443 = arith.constant 32 : i32
        %mul3A_444 = arith.muli %scan3A_424, %mul3A_443 : i32
        %add3A_445 = arith.constant 0 : i32
        %add3A_446 = arith.addi %mul3A_444, %add3A_445 : i32
        %swap3A_447 = arith.index_cast %add3A_446 : i32 to index
        %swap3A_448 = tpu.vector_load %arg6[%swap3A_447] {strides = array<i32>} : memref<8192xf32, #tpu.memory_space<vmem>>, vector<16xf32>,
        tpu.vector_store %arg6[%swap3A_447], %mul3A_442 {strides = array<i32>} : memref<8192xf32, #tpu.memory_space<vmem>>, vector<16xf32>,
        %mul3A_449 = arith.constant 128 : i32
        %mul3A_450 = arith.muli %scan3A_424, %mul3A_449 : i32
        %add3A_451 = arith.constant 32 : i32
        %add3A_452 = arith.addi %mul3A_450, %add3A_451 : i32
        %gather3A_453 = tpu.memref_slice %arg4[%add3A_452] : memref<32768xf32, #tpu.memory_space<vmem>> -> memref<96xf32, #tpu.memory_space<vmem>>
        %gather3A_454 = tpu.vector_load_idx %gather3A_453[%add3A_8] : memref<96xf32, #tpu.memory_space<vmem>>[vector<16xi32>], vector<16xf32>,
        %gather3A_455 = tpu.memref_slice %arg4[%add3A_452] : memref<32768xf32, #tpu.memory_space<vmem>> -> memref<96xf32, #tpu.memory_space<vmem>>
        %gather3A_456 = tpu.vector_load_idx %gather3A_455[%add3A_14] : memref<96xf32, #tpu.memory_space<vmem>>[vector<16xi32>], vector<16xf32>,
        %gather3A_457 = tpu.memref_slice %arg4[%add3A_452] : memref<32768xf32, #tpu.memory_space<vmem>> -> memref<96xf32, #tpu.memory_space<vmem>>
        %gather3A_458 = tpu.vector_load_idx %gather3A_457[%add3A_20] : memref<96xf32, #tpu.memory_space<vmem>>[vector<16xi32>], vector<16xf32>,
        %gather3A_459 = tpu.memref_slice %arg4[%add3A_452] : memref<32768xf32, #tpu.memory_space<vmem>> -> memref<96xf32, #tpu.memory_space<vmem>>
        %gather3A_460 = tpu.vector_load_idx %gather3A_459[%add3A_26] : memref<96xf32, #tpu.memory_space<vmem>>[vector<16xi32>], vector<16xf32>,
        %add3A_461 = arith.addf %gather3A_454, %gather3A_456 : vector<16xf32>
        %add3A_462 = arith.addf %gather3A_458, %gather3A_460 : vector<16xf32>
        %add3A_463 = arith.addf %add3A_461, %add3A_462 : vector<16xf32>
        %mul3A_464 = arith.constant 2.500000e-01 : f32
        %mul3A_465 = vector.broadcast %mul3A_464 : f32 to vector<16xf32>
        %mul3A_466 = arith.mulf %add3A_463, %mul3A_465 : vector<16xf32>
        %mul3A_467 = arith.constant 32 : i32
        %mul3A_468 = arith.muli %scan3A_424, %mul3A_467 : i32
        %add3A_469 = arith.constant 16 : i32
        %add3A_470 = arith.addi %mul3A_468, %add3A_469 : i32
        %swap3A_471 = arith.index_cast %add3A_470 : i32 to index
        %swap3A_472 = tpu.vector_load %arg6[%swap3A_471] {strides = array<i32>} : memref<8192xf32, #tpu.memory_space<vmem>>, vector<16xf32>,
        tpu.vector_store %arg6[%swap3A_471], %mul3A_466 {strides = array<i32>} : memref<8192xf32, #tpu.memory_space<vmem>>, vector<16xf32>,
        %scan3A_473 = arith.constant 0 : i32
        %scan3A_474 = arith.constant 7 : i32
        %scan3A_475 = arith.addi %scan3A_119, %scan3A_474 : i32
        %mul3A_476 = arith.constant 128 : i32
        %mul3A_477 = arith.muli %scan3A_475, %mul3A_476 : i32
        %add3A_478 = arith.constant 0 : i32
        %add3A_479 = arith.addi %mul3A_477, %add3A_478 : i32
        %gather3A_480 = tpu.memref_slice %arg4[%add3A_479] : memref<32768xf32, #tpu.memory_space<vmem>> -> memref<96xf32, #tpu.memory_space<vmem>>
        %gather3A_481 = tpu.vector_load_idx %gather3A_480[%add3A_8] : memref<96xf32, #tpu.memory_space<vmem>>[vector<16xi32>], vector<16xf32>,
        %gather3A_482 = tpu.memref_slice %arg4[%add3A_479] : memref<32768xf32, #tpu.memory_space<vmem>> -> memref<96xf32, #tpu.memory_space<vmem>>
        %gather3A_483 = tpu.vector_load_idx %gather3A_482[%add3A_14] : memref<96xf32, #tpu.memory_space<vmem>>[vector<16xi32>], vector<16xf32>,
        %gather3A_484 = tpu.memref_slice %arg4[%add3A_479] : memref<32768xf32, #tpu.memory_space<vmem>> -> memref<96xf32, #tpu.memory_space<vmem>>
        %gather3A_485 = tpu.vector_load_idx %gather3A_484[%add3A_20] : memref<96xf32, #tpu.memory_space<vmem>>[vector<16xi32>], vector<16xf32>,
        %gather3A_486 = tpu.memref_slice %arg4[%add3A_479] : memref<32768xf32, #tpu.memory_space<vmem>> -> memref<96xf32, #tpu.memory_space<vmem>>
        %gather3A_487 = tpu.vector_load_idx %gather3A_486[%add3A_26] : memref<96xf32, #tpu.memory_space<vmem>>[vector<16xi32>], vector<16xf32>,
        %add3A_488 = arith.addf %gather3A_481, %gather3A_483 : vector<16xf32>
        %add3A_489 = arith.addf %gather3A_485, %gather3A_487 : vector<16xf32>
        %add3A_490 = arith.addf %add3A_488, %add3A_489 : vector<16xf32>
        %mul3A_491 = arith.constant 2.500000e-01 : f32
        %mul3A_492 = vector.broadcast %mul3A_491 : f32 to vector<16xf32>
        %mul3A_493 = arith.mulf %add3A_490, %mul3A_492 : vector<16xf32>
        %mul3A_494 = arith.constant 32 : i32
        %mul3A_495 = arith.muli %scan3A_475, %mul3A_494 : i32
        %add3A_496 = arith.constant 0 : i32
        %add3A_497 = arith.addi %mul3A_495, %add3A_496 : i32
        %swap3A_498 = arith.index_cast %add3A_497 : i32 to index
        %swap3A_499 = tpu.vector_load %arg6[%swap3A_498] {strides = array<i32>} : memref<8192xf32, #tpu.memory_space<vmem>>, vector<16xf32>,
        tpu.vector_store %arg6[%swap3A_498], %mul3A_493 {strides = array<i32>} : memref<8192xf32, #tpu.memory_space<vmem>>, vector<16xf32>,
        %mul3A_500 = arith.constant 128 : i32
        %mul3A_501 = arith.muli %scan3A_475, %mul3A_500 : i32
        %add3A_502 = arith.constant 32 : i32
        %add3A_503 = arith.addi %mul3A_501, %add3A_502 : i32
        %gather3A_504 = tpu.memref_slice %arg4[%add3A_503] : memref<32768xf32, #tpu.memory_space<vmem>> -> memref<96xf32, #tpu.memory_space<vmem>>
        %gather3A_505 = tpu.vector_load_idx %gather3A_504[%add3A_8] : memref<96xf32, #tpu.memory_space<vmem>>[vector<16xi32>], vector<16xf32>,
        %gather3A_506 = tpu.memref_slice %arg4[%add3A_503] : memref<32768xf32, #tpu.memory_space<vmem>> -> memref<96xf32, #tpu.memory_space<vmem>>
        %gather3A_507 = tpu.vector_load_idx %gather3A_506[%add3A_14] : memref<96xf32, #tpu.memory_space<vmem>>[vector<16xi32>], vector<16xf32>,
        %gather3A_508 = tpu.memref_slice %arg4[%add3A_503] : memref<32768xf32, #tpu.memory_space<vmem>> -> memref<96xf32, #tpu.memory_space<vmem>>
        %gather3A_509 = tpu.vector_load_idx %gather3A_508[%add3A_20] : memref<96xf32, #tpu.memory_space<vmem>>[vector<16xi32>], vector<16xf32>,
        %gather3A_510 = tpu.memref_slice %arg4[%add3A_503] : memref<32768xf32, #tpu.memory_space<vmem>> -> memref<96xf32, #tpu.memory_space<vmem>>
        %gather3A_511 = tpu.vector_load_idx %gather3A_510[%add3A_26] : memref<96xf32, #tpu.memory_space<vmem>>[vector<16xi32>], vector<16xf32>,
        %add3A_512 = arith.addf %gather3A_505, %gather3A_507 : vector<16xf32>
        %add3A_513 = arith.addf %gather3A_509, %gather3A_511 : vector<16xf32>
        %add3A_514 = arith.addf %add3A_512, %add3A_513 : vector<16xf32>
        %mul3A_515 = arith.constant 2.500000e-01 : f32
        %mul3A_516 = vector.broadcast %mul3A_515 : f32 to vector<16xf32>
        %mul3A_517 = arith.mulf %add3A_514, %mul3A_516 : vector<16xf32>
        %mul3A_518 = arith.constant 32 : i32
        %mul3A_519 = arith.muli %scan3A_475, %mul3A_518 : i32
        %add3A_520 = arith.constant 16 : i32
        %add3A_521 = arith.addi %mul3A_519, %add3A_520 : i32
        %swap3A_522 = arith.index_cast %add3A_521 : i32 to index
        %swap3A_523 = tpu.vector_load %arg6[%swap3A_522] {strides = array<i32>} : memref<8192xf32, #tpu.memory_space<vmem>>, vector<16xf32>,
        tpu.vector_store %arg6[%swap3A_522], %mul3A_517 {strides = array<i32>} : memref<8192xf32, #tpu.memory_space<vmem>>, vector<16xf32>,
        %scan3A_524 = arith.constant 0 : i32
        scf.yield %scan3A_524 : i32
      }
      %scan3A_78 = arith.constant 256 : i32
      %dma_start3A_79 = arith.constant 0 : i32
      %dma_start3A_80 = tpu.memref_slice %arg3[%add3A_55, %dma_start3A_79] : memref<512x8192xf32, #tpu.memory_space<hbm>> -> memref<1x8192xf32, #tpu.memory_space<hbm>>
      %dma_start3A_81 = tpu.memref_squeeze %dma_start3A_80 : memref<1x8192xf32, #tpu.memory_space<hbm>> -> memref<8192xf32, #tpu.memory_space<hbm>>
      %dma_start3A_82 = arith.constant 0 : i32
      %dma_start3A_83 = tpu.memref_slice %arg3[%add3A_55, %dma_start3A_82] : memref<512x8192xf32, #tpu.memory_space<hbm>> -> memref<1x8192xf32, #tpu.memory_space<hbm>>
      %dma_start3A_84 = tpu.memref_squeeze %dma_start3A_83 : memref<1x8192xf32, #tpu.memory_space<hbm>> -> memref<8192xf32, #tpu.memory_space<hbm>>
      tpu.enqueue_dma source(%arg6 : memref<8192xf32, #tpu.memory_space<vmem>>) target(%dma_start3A_84 : memref<8192xf32, #tpu.memory_space<hbm>>) target_semaphore(%arg10 : memref<!tpu.dma_semaphore, #tpu.memory_space<semaphore_mem>>)
      %mul3A_85 = arith.constant 2 : i32
      %mul3A_86 = arith.muli %mul3A_85, %scan3A_49 : i32
      %add3A_87 = arith.constant 1 : i32
      %add3A_88 = arith.addi %mul3A_86, %add3A_87 : i32
      %add3A_89 = arith.addi %mul3A_2, %add3A_88 : i32
      %lt3A = arith.constant 7 : i32
      %lt3A_90 = arith.cmpi slt, %scan3A_49, %lt3A : i32
      %convert_element_type3A_91 = arith.extui %lt3A_90 : i1 to i32
      %cond3A_92 = arith.constant 0 : i32
      %cond3A_93 = arith.cmpi ne, %convert_element_type3A_91, %cond3A_92 : i32
      scf.if %cond3A_93 {
        %add3A_119 = arith.constant 1 : i32
        %add3A_120 = arith.addi %add3A_89, %add3A_119 : i32
        %dma_start3A_121 = arith.constant 0 : i32
        %dma_start3A_122 = tpu.memref_slice %arg2[%add3A_120, %dma_start3A_121] : memref<512x32768xf32, #tpu.memory_space<hbm>> -> memref<1x32768xf32, #tpu.memory_space<hbm>>
        %dma_start3A_123 = tpu.memref_squeeze %dma_start3A_122 : memref<1x32768xf32, #tpu.memory_space<hbm>> -> memref<32768xf32, #tpu.memory_space<hbm>>
        %dma_start3A_124 = arith.constant 0 : i32
        %dma_start3A_125 = tpu.memref_slice %arg2[%add3A_120, %dma_start3A_124] : memref<512x32768xf32, #tpu.memory_space<hbm>> -> memref<1x32768xf32, #tpu.memory_space<hbm>>
        %dma_start3A_126 = tpu.memref_squeeze %dma_start3A_125 : memref<1x32768xf32, #tpu.memory_space<hbm>> -> memref<32768xf32, #tpu.memory_space<hbm>>
        tpu.enqueue_dma source(%dma_start3A_126 : memref<32768xf32, #tpu.memory_space<hbm>>) target(%arg4 : memref<32768xf32, #tpu.memory_space<vmem>>) target_semaphore(%arg8 : memref<!tpu.dma_semaphore, #tpu.memory_space<semaphore_mem>>)
      } else {
      }
      %dma_wait3A_94 = arith.constant 0 : i32
      %dma_wait3A_95 = tpu.memref_slice %arg2[%mul3A_2, %dma_wait3A_94] : memref<512x32768xf32, #tpu.memory_space<hbm>> -> memref<1x32768xf32, #tpu.memory_space<hbm>>
      %dma_wait3A_96 = tpu.memref_squeeze %dma_wait3A_95 : memref<1x32768xf32, #tpu.memory_space<hbm>> -> memref<32768xf32, #tpu.memory_space<hbm>>
      %dma_wait3A_97 = arith.constant 0 : i32
      %dma_wait3A_98 = tpu.memref_slice %arg2[%mul3A_2, %dma_wait3A_97] : memref<512x32768xf32, #tpu.memory_space<hbm>> -> memref<1x32768xf32, #tpu.memory_space<hbm>>
      %dma_wait3A_99 = tpu.memref_squeeze %dma_wait3A_98 : memref<1x32768xf32, #tpu.memory_space<hbm>> -> memref<32768xf32, #tpu.memory_space<hbm>>
      tpu.wait_dma2 semaphore(%arg9 : memref<!tpu.dma_semaphore, #tpu.memory_space<semaphore_mem>>) src(%dma_wait3A_99 : memref<32768xf32, #tpu.memory_space<hbm>>) dst(%arg5 : memref<32768xf32, #tpu.memory_space<vmem>>)
      %ge3A_100 = arith.constant 1 : i32
      %ge3A_101 = arith.cmpi sge, %scan3A_49, %ge3A_100 : i32
      %convert_element_type3A_102 = arith.extui %ge3A_101 : i1 to i32
      %cond3A_103 = arith.constant 0 : i32
      %cond3A_104 = arith.cmpi ne, %convert_element_type3A_102, %cond3A_103 : i32
      scf.if %cond3A_104 {
        %dma_wait3A_119 = arith.constant 0 : i32
        %dma_wait3A_120 = tpu.memref_slice %arg3[%mul3A_2, %dma_wait3A_119] : memref<512x8192xf32, #tpu.memory_space<hbm>> -> memref<1x8192xf32, #tpu.memory_space<hbm>>
        %dma_wait3A_121 = tpu.memref_squeeze %dma_wait3A_120 : memref<1x8192xf32, #tpu.memory_space<hbm>> -> memref<8192xf32, #tpu.memory_space<hbm>>
        %dma_wait3A_122 = arith.constant 0 : i32
        %dma_wait3A_123 = tpu.memref_slice %arg3[%mul3A_2, %dma_wait3A_122] : memref<512x8192xf32, #tpu.memory_space<hbm>> -> memref<1x8192xf32, #tpu.memory_space<hbm>>
        %dma_wait3A_124 = tpu.memref_squeeze %dma_wait3A_123 : memref<1x8192xf32, #tpu.memory_space<hbm>> -> memref<8192xf32, #tpu.memory_space<hbm>>
        tpu.wait_dma2 semaphore(%arg11 : memref<!tpu.dma_semaphore, #tpu.memory_space<semaphore_mem>>) src(%arg7 : memref<8192xf32, #tpu.memory_space<vmem>>) dst(%dma_wait3A_124 : memref<8192xf32, #tpu.memory_space<hbm>>)
      } else {
      }
      %scan3A_105 = arith.constant 0 : i32
      %scan3A_106 = arith.constant 0 : i32
      %scan3A_107 = arith.constant 256 : i32
      %scan3A_108 = arith.addi %scan3A_106, %scan3A_107 : i32
      %scan3A_109 = arith.constant 8 : i32
      %scan3A_110 = scf.for %scan3A_119 = %scan3A_106 to %scan3A_108 step %scan3A_109 iter_args(%scan3A_120 = %scan3A_105) -> (i32)  : i32 {
        %mul3A_121 = arith.constant 128 : i32
        %mul3A_122 = arith.muli %scan3A_119, %mul3A_121 : i32
        %add3A_123 = arith.constant 0 : i32
        %add3A_124 = arith.addi %mul3A_122, %add3A_123 : i32
        %gather3A = tpu.memref_slice %arg5[%add3A_124] : memref<32768xf32, #tpu.memory_space<vmem>> -> memref<96xf32, #tpu.memory_space<vmem>>
        %gather3A_125 = tpu.vector_load_idx %gather3A[%add3A_8] : memref<96xf32, #tpu.memory_space<vmem>>[vector<16xi32>], vector<16xf32>,
        %gather3A_126 = tpu.memref_slice %arg5[%add3A_124] : memref<32768xf32, #tpu.memory_space<vmem>> -> memref<96xf32, #tpu.memory_space<vmem>>
        %gather3A_127 = tpu.vector_load_idx %gather3A_126[%add3A_14] : memref<96xf32, #tpu.memory_space<vmem>>[vector<16xi32>], vector<16xf32>,
        %gather3A_128 = tpu.memref_slice %arg5[%add3A_124] : memref<32768xf32, #tpu.memory_space<vmem>> -> memref<96xf32, #tpu.memory_space<vmem>>
        %gather3A_129 = tpu.vector_load_idx %gather3A_128[%add3A_20] : memref<96xf32, #tpu.memory_space<vmem>>[vector<16xi32>], vector<16xf32>,
        %gather3A_130 = tpu.memref_slice %arg5[%add3A_124] : memref<32768xf32, #tpu.memory_space<vmem>> -> memref<96xf32, #tpu.memory_space<vmem>>
        %gather3A_131 = tpu.vector_load_idx %gather3A_130[%add3A_26] : memref<96xf32, #tpu.memory_space<vmem>>[vector<16xi32>], vector<16xf32>,
        %add3A_132 = arith.addf %gather3A_125, %gather3A_127 : vector<16xf32>
        %add3A_133 = arith.addf %gather3A_129, %gather3A_131 : vector<16xf32>
        %add3A_134 = arith.addf %add3A_132, %add3A_133 : vector<16xf32>
        %mul3A_135 = arith.constant 2.500000e-01 : f32
        %mul3A_136 = vector.broadcast %mul3A_135 : f32 to vector<16xf32>
        %mul3A_137 = arith.mulf %add3A_134, %mul3A_136 : vector<16xf32>
        %mul3A_138 = arith.constant 32 : i32
        %mul3A_139 = arith.muli %scan3A_119, %mul3A_138 : i32
        %add3A_140 = arith.constant 0 : i32
        %add3A_141 = arith.addi %mul3A_139, %add3A_140 : i32
        %swap3A = arith.index_cast %add3A_141 : i32 to index
        %swap3A_142 = tpu.vector_load %arg7[%swap3A] {strides = array<i32>} : memref<8192xf32, #tpu.memory_space<vmem>>, vector<16xf32>,
        tpu.vector_store %arg7[%swap3A], %mul3A_137 {strides = array<i32>} : memref<8192xf32, #tpu.memory_space<vmem>>, vector<16xf32>,
        %mul3A_143 = arith.constant 128 : i32
        %mul3A_144 = arith.muli %scan3A_119, %mul3A_143 : i32
        %add3A_145 = arith.constant 32 : i32
        %add3A_146 = arith.addi %mul3A_144, %add3A_145 : i32
        %gather3A_147 = tpu.memref_slice %arg5[%add3A_146] : memref<32768xf32, #tpu.memory_space<vmem>> -> memref<96xf32, #tpu.memory_space<vmem>>
        %gather3A_148 = tpu.vector_load_idx %gather3A_147[%add3A_8] : memref<96xf32, #tpu.memory_space<vmem>>[vector<16xi32>], vector<16xf32>,
        %gather3A_149 = tpu.memref_slice %arg5[%add3A_146] : memref<32768xf32, #tpu.memory_space<vmem>> -> memref<96xf32, #tpu.memory_space<vmem>>
        %gather3A_150 = tpu.vector_load_idx %gather3A_149[%add3A_14] : memref<96xf32, #tpu.memory_space<vmem>>[vector<16xi32>], vector<16xf32>,
        %gather3A_151 = tpu.memref_slice %arg5[%add3A_146] : memref<32768xf32, #tpu.memory_space<vmem>> -> memref<96xf32, #tpu.memory_space<vmem>>
        %gather3A_152 = tpu.vector_load_idx %gather3A_151[%add3A_20] : memref<96xf32, #tpu.memory_space<vmem>>[vector<16xi32>], vector<16xf32>,
        %gather3A_153 = tpu.memref_slice %arg5[%add3A_146] : memref<32768xf32, #tpu.memory_space<vmem>> -> memref<96xf32, #tpu.memory_space<vmem>>
        %gather3A_154 = tpu.vector_load_idx %gather3A_153[%add3A_26] : memref<96xf32, #tpu.memory_space<vmem>>[vector<16xi32>], vector<16xf32>,
        %add3A_155 = arith.addf %gather3A_148, %gather3A_150 : vector<16xf32>
        %add3A_156 = arith.addf %gather3A_152, %gather3A_154 : vector<16xf32>
        %add3A_157 = arith.addf %add3A_155, %add3A_156 : vector<16xf32>
        %mul3A_158 = arith.constant 2.500000e-01 : f32
        %mul3A_159 = vector.broadcast %mul3A_158 : f32 to vector<16xf32>
        %mul3A_160 = arith.mulf %add3A_157, %mul3A_159 : vector<16xf32>
        %mul3A_161 = arith.constant 32 : i32
        %mul3A_162 = arith.muli %scan3A_119, %mul3A_161 : i32
        %add3A_163 = arith.constant 16 : i32
        %add3A_164 = arith.addi %mul3A_162, %add3A_163 : i32
        %swap3A_165 = arith.index_cast %add3A_164 : i32 to index
        %swap3A_166 = tpu.vector_load %arg7[%swap3A_165] {strides = array<i32>} : memref<8192xf32, #tpu.memory_space<vmem>>, vector<16xf32>,
        tpu.vector_store %arg7[%swap3A_165], %mul3A_160 {strides = array<i32>} : memref<8192xf32, #tpu.memory_space<vmem>>, vector<16xf32>,
        %scan3A_167 = arith.constant 0 : i32
        %scan3A_168 = arith.constant 1 : i32
        %scan3A_169 = arith.addi %scan3A_119, %scan3A_168 : i32
        %mul3A_170 = arith.constant 128 : i32
        %mul3A_171 = arith.muli %scan3A_169, %mul3A_170 : i32
        %add3A_172 = arith.constant 0 : i32
        %add3A_173 = arith.addi %mul3A_171, %add3A_172 : i32
        %gather3A_174 = tpu.memref_slice %arg5[%add3A_173] : memref<32768xf32, #tpu.memory_space<vmem>> -> memref<96xf32, #tpu.memory_space<vmem>>
        %gather3A_175 = tpu.vector_load_idx %gather3A_174[%add3A_8] : memref<96xf32, #tpu.memory_space<vmem>>[vector<16xi32>], vector<16xf32>,
        %gather3A_176 = tpu.memref_slice %arg5[%add3A_173] : memref<32768xf32, #tpu.memory_space<vmem>> -> memref<96xf32, #tpu.memory_space<vmem>>
        %gather3A_177 = tpu.vector_load_idx %gather3A_176[%add3A_14] : memref<96xf32, #tpu.memory_space<vmem>>[vector<16xi32>], vector<16xf32>,
        %gather3A_178 = tpu.memref_slice %arg5[%add3A_173] : memref<32768xf32, #tpu.memory_space<vmem>> -> memref<96xf32, #tpu.memory_space<vmem>>
        %gather3A_179 = tpu.vector_load_idx %gather3A_178[%add3A_20] : memref<96xf32, #tpu.memory_space<vmem>>[vector<16xi32>], vector<16xf32>,
        %gather3A_180 = tpu.memref_slice %arg5[%add3A_173] : memref<32768xf32, #tpu.memory_space<vmem>> -> memref<96xf32, #tpu.memory_space<vmem>>
        %gather3A_181 = tpu.vector_load_idx %gather3A_180[%add3A_26] : memref<96xf32, #tpu.memory_space<vmem>>[vector<16xi32>], vector<16xf32>,
        %add3A_182 = arith.addf %gather3A_175, %gather3A_177 : vector<16xf32>
        %add3A_183 = arith.addf %gather3A_179, %gather3A_181 : vector<16xf32>
        %add3A_184 = arith.addf %add3A_182, %add3A_183 : vector<16xf32>
        %mul3A_185 = arith.constant 2.500000e-01 : f32
        %mul3A_186 = vector.broadcast %mul3A_185 : f32 to vector<16xf32>
        %mul3A_187 = arith.mulf %add3A_184, %mul3A_186 : vector<16xf32>
        %mul3A_188 = arith.constant 32 : i32
        %mul3A_189 = arith.muli %scan3A_169, %mul3A_188 : i32
        %add3A_190 = arith.constant 0 : i32
        %add3A_191 = arith.addi %mul3A_189, %add3A_190 : i32
        %swap3A_192 = arith.index_cast %add3A_191 : i32 to index
        %swap3A_193 = tpu.vector_load %arg7[%swap3A_192] {strides = array<i32>} : memref<8192xf32, #tpu.memory_space<vmem>>, vector<16xf32>,
        tpu.vector_store %arg7[%swap3A_192], %mul3A_187 {strides = array<i32>} : memref<8192xf32, #tpu.memory_space<vmem>>, vector<16xf32>,
        %mul3A_194 = arith.constant 128 : i32
        %mul3A_195 = arith.muli %scan3A_169, %mul3A_194 : i32
        %add3A_196 = arith.constant 32 : i32
        %add3A_197 = arith.addi %mul3A_195, %add3A_196 : i32
        %gather3A_198 = tpu.memref_slice %arg5[%add3A_197] : memref<32768xf32, #tpu.memory_space<vmem>> -> memref<96xf32, #tpu.memory_space<vmem>>
        %gather3A_199 = tpu.vector_load_idx %gather3A_198[%add3A_8] : memref<96xf32, #tpu.memory_space<vmem>>[vector<16xi32>], vector<16xf32>,
        %gather3A_200 = tpu.memref_slice %arg5[%add3A_197] : memref<32768xf32, #tpu.memory_space<vmem>> -> memref<96xf32, #tpu.memory_space<vmem>>
        %gather3A_201 = tpu.vector_load_idx %gather3A_200[%add3A_14] : memref<96xf32, #tpu.memory_space<vmem>>[vector<16xi32>], vector<16xf32>,
        %gather3A_202 = tpu.memref_slice %arg5[%add3A_197] : memref<32768xf32, #tpu.memory_space<vmem>> -> memref<96xf32, #tpu.memory_space<vmem>>
        %gather3A_203 = tpu.vector_load_idx %gather3A_202[%add3A_20] : memref<96xf32, #tpu.memory_space<vmem>>[vector<16xi32>], vector<16xf32>,
        %gather3A_204 = tpu.memref_slice %arg5[%add3A_197] : memref<32768xf32, #tpu.memory_space<vmem>> -> memref<96xf32, #tpu.memory_space<vmem>>
        %gather3A_205 = tpu.vector_load_idx %gather3A_204[%add3A_26] : memref<96xf32, #tpu.memory_space<vmem>>[vector<16xi32>], vector<16xf32>,
        %add3A_206 = arith.addf %gather3A_199, %gather3A_201 : vector<16xf32>
        %add3A_207 = arith.addf %gather3A_203, %gather3A_205 : vector<16xf32>
        %add3A_208 = arith.addf %add3A_206, %add3A_207 : vector<16xf32>
        %mul3A_209 = arith.constant 2.500000e-01 : f32
        %mul3A_210 = vector.broadcast %mul3A_209 : f32 to vector<16xf32>
        %mul3A_211 = arith.mulf %add3A_208, %mul3A_210 : vector<16xf32>
        %mul3A_212 = arith.constant 32 : i32
        %mul3A_213 = arith.muli %scan3A_169, %mul3A_212 : i32
        %add3A_214 = arith.constant 16 : i32
        %add3A_215 = arith.addi %mul3A_213, %add3A_214 : i32
        %swap3A_216 = arith.index_cast %add3A_215 : i32 to index
        %swap3A_217 = tpu.vector_load %arg7[%swap3A_216] {strides = array<i32>} : memref<8192xf32, #tpu.memory_space<vmem>>, vector<16xf32>,
        tpu.vector_store %arg7[%swap3A_216], %mul3A_211 {strides = array<i32>} : memref<8192xf32, #tpu.memory_space<vmem>>, vector<16xf32>,
        %scan3A_218 = arith.constant 0 : i32
        %scan3A_219 = arith.constant 2 : i32
        %scan3A_220 = arith.addi %scan3A_119, %scan3A_219 : i32
        %mul3A_221 = arith.constant 128 : i32
        %mul3A_222 = arith.muli %scan3A_220, %mul3A_221 : i32
        %add3A_223 = arith.constant 0 : i32
        %add3A_224 = arith.addi %mul3A_222, %add3A_223 : i32
        %gather3A_225 = tpu.memref_slice %arg5[%add3A_224] : memref<32768xf32, #tpu.memory_space<vmem>> -> memref<96xf32, #tpu.memory_space<vmem>>
        %gather3A_226 = tpu.vector_load_idx %gather3A_225[%add3A_8] : memref<96xf32, #tpu.memory_space<vmem>>[vector<16xi32>], vector<16xf32>,
        %gather3A_227 = tpu.memref_slice %arg5[%add3A_224] : memref<32768xf32, #tpu.memory_space<vmem>> -> memref<96xf32, #tpu.memory_space<vmem>>
        %gather3A_228 = tpu.vector_load_idx %gather3A_227[%add3A_14] : memref<96xf32, #tpu.memory_space<vmem>>[vector<16xi32>], vector<16xf32>,
        %gather3A_229 = tpu.memref_slice %arg5[%add3A_224] : memref<32768xf32, #tpu.memory_space<vmem>> -> memref<96xf32, #tpu.memory_space<vmem>>
        %gather3A_230 = tpu.vector_load_idx %gather3A_229[%add3A_20] : memref<96xf32, #tpu.memory_space<vmem>>[vector<16xi32>], vector<16xf32>,
        %gather3A_231 = tpu.memref_slice %arg5[%add3A_224] : memref<32768xf32, #tpu.memory_space<vmem>> -> memref<96xf32, #tpu.memory_space<vmem>>
        %gather3A_232 = tpu.vector_load_idx %gather3A_231[%add3A_26] : memref<96xf32, #tpu.memory_space<vmem>>[vector<16xi32>], vector<16xf32>,
        %add3A_233 = arith.addf %gather3A_226, %gather3A_228 : vector<16xf32>
        %add3A_234 = arith.addf %gather3A_230, %gather3A_232 : vector<16xf32>
        %add3A_235 = arith.addf %add3A_233, %add3A_234 : vector<16xf32>
        %mul3A_236 = arith.constant 2.500000e-01 : f32
        %mul3A_237 = vector.broadcast %mul3A_236 : f32 to vector<16xf32>
        %mul3A_238 = arith.mulf %add3A_235, %mul3A_237 : vector<16xf32>
        %mul3A_239 = arith.constant 32 : i32
        %mul3A_240 = arith.muli %scan3A_220, %mul3A_239 : i32
        %add3A_241 = arith.constant 0 : i32
        %add3A_242 = arith.addi %mul3A_240, %add3A_241 : i32
        %swap3A_243 = arith.index_cast %add3A_242 : i32 to index
        %swap3A_244 = tpu.vector_load %arg7[%swap3A_243] {strides = array<i32>} : memref<8192xf32, #tpu.memory_space<vmem>>, vector<16xf32>,
        tpu.vector_store %arg7[%swap3A_243], %mul3A_238 {strides = array<i32>} : memref<8192xf32, #tpu.memory_space<vmem>>, vector<16xf32>,
        %mul3A_245 = arith.constant 128 : i32
        %mul3A_246 = arith.muli %scan3A_220, %mul3A_245 : i32
        %add3A_247 = arith.constant 32 : i32
        %add3A_248 = arith.addi %mul3A_246, %add3A_247 : i32
        %gather3A_249 = tpu.memref_slice %arg5[%add3A_248] : memref<32768xf32, #tpu.memory_space<vmem>> -> memref<96xf32, #tpu.memory_space<vmem>>
        %gather3A_250 = tpu.vector_load_idx %gather3A_249[%add3A_8] : memref<96xf32, #tpu.memory_space<vmem>>[vector<16xi32>], vector<16xf32>,
        %gather3A_251 = tpu.memref_slice %arg5[%add3A_248] : memref<32768xf32, #tpu.memory_space<vmem>> -> memref<96xf32, #tpu.memory_space<vmem>>
        %gather3A_252 = tpu.vector_load_idx %gather3A_251[%add3A_14] : memref<96xf32, #tpu.memory_space<vmem>>[vector<16xi32>], vector<16xf32>,
        %gather3A_253 = tpu.memref_slice %arg5[%add3A_248] : memref<32768xf32, #tpu.memory_space<vmem>> -> memref<96xf32, #tpu.memory_space<vmem>>
        %gather3A_254 = tpu.vector_load_idx %gather3A_253[%add3A_20] : memref<96xf32, #tpu.memory_space<vmem>>[vector<16xi32>], vector<16xf32>,
        %gather3A_255 = tpu.memref_slice %arg5[%add3A_248] : memref<32768xf32, #tpu.memory_space<vmem>> -> memref<96xf32, #tpu.memory_space<vmem>>
        %gather3A_256 = tpu.vector_load_idx %gather3A_255[%add3A_26] : memref<96xf32, #tpu.memory_space<vmem>>[vector<16xi32>], vector<16xf32>,
        %add3A_257 = arith.addf %gather3A_250, %gather3A_252 : vector<16xf32>
        %add3A_258 = arith.addf %gather3A_254, %gather3A_256 : vector<16xf32>
        %add3A_259 = arith.addf %add3A_257, %add3A_258 : vector<16xf32>
        %mul3A_260 = arith.constant 2.500000e-01 : f32
        %mul3A_261 = vector.broadcast %mul3A_260 : f32 to vector<16xf32>
        %mul3A_262 = arith.mulf %add3A_259, %mul3A_261 : vector<16xf32>
        %mul3A_263 = arith.constant 32 : i32
        %mul3A_264 = arith.muli %scan3A_220, %mul3A_263 : i32
        %add3A_265 = arith.constant 16 : i32
        %add3A_266 = arith.addi %mul3A_264, %add3A_265 : i32
        %swap3A_267 = arith.index_cast %add3A_266 : i32 to index
        %swap3A_268 = tpu.vector_load %arg7[%swap3A_267] {strides = array<i32>} : memref<8192xf32, #tpu.memory_space<vmem>>, vector<16xf32>,
        tpu.vector_store %arg7[%swap3A_267], %mul3A_262 {strides = array<i32>} : memref<8192xf32, #tpu.memory_space<vmem>>, vector<16xf32>,
        %scan3A_269 = arith.constant 0 : i32
        %scan3A_270 = arith.constant 3 : i32
        %scan3A_271 = arith.addi %scan3A_119, %scan3A_270 : i32
        %mul3A_272 = arith.constant 128 : i32
        %mul3A_273 = arith.muli %scan3A_271, %mul3A_272 : i32
        %add3A_274 = arith.constant 0 : i32
        %add3A_275 = arith.addi %mul3A_273, %add3A_274 : i32
        %gather3A_276 = tpu.memref_slice %arg5[%add3A_275] : memref<32768xf32, #tpu.memory_space<vmem>> -> memref<96xf32, #tpu.memory_space<vmem>>
        %gather3A_277 = tpu.vector_load_idx %gather3A_276[%add3A_8] : memref<96xf32, #tpu.memory_space<vmem>>[vector<16xi32>], vector<16xf32>,
        %gather3A_278 = tpu.memref_slice %arg5[%add3A_275] : memref<32768xf32, #tpu.memory_space<vmem>> -> memref<96xf32, #tpu.memory_space<vmem>>
        %gather3A_279 = tpu.vector_load_idx %gather3A_278[%add3A_14] : memref<96xf32, #tpu.memory_space<vmem>>[vector<16xi32>], vector<16xf32>,
        %gather3A_280 = tpu.memref_slice %arg5[%add3A_275] : memref<32768xf32, #tpu.memory_space<vmem>> -> memref<96xf32, #tpu.memory_space<vmem>>
        %gather3A_281 = tpu.vector_load_idx %gather3A_280[%add3A_20] : memref<96xf32, #tpu.memory_space<vmem>>[vector<16xi32>], vector<16xf32>,
        %gather3A_282 = tpu.memref_slice %arg5[%add3A_275] : memref<32768xf32, #tpu.memory_space<vmem>> -> memref<96xf32, #tpu.memory_space<vmem>>
        %gather3A_283 = tpu.vector_load_idx %gather3A_282[%add3A_26] : memref<96xf32, #tpu.memory_space<vmem>>[vector<16xi32>], vector<16xf32>,
        %add3A_284 = arith.addf %gather3A_277, %gather3A_279 : vector<16xf32>
        %add3A_285 = arith.addf %gather3A_281, %gather3A_283 : vector<16xf32>
        %add3A_286 = arith.addf %add3A_284, %add3A_285 : vector<16xf32>
        %mul3A_287 = arith.constant 2.500000e-01 : f32
        %mul3A_288 = vector.broadcast %mul3A_287 : f32 to vector<16xf32>
        %mul3A_289 = arith.mulf %add3A_286, %mul3A_288 : vector<16xf32>
        %mul3A_290 = arith.constant 32 : i32
        %mul3A_291 = arith.muli %scan3A_271, %mul3A_290 : i32
        %add3A_292 = arith.constant 0 : i32
        %add3A_293 = arith.addi %mul3A_291, %add3A_292 : i32
        %swap3A_294 = arith.index_cast %add3A_293 : i32 to index
        %swap3A_295 = tpu.vector_load %arg7[%swap3A_294] {strides = array<i32>} : memref<8192xf32, #tpu.memory_space<vmem>>, vector<16xf32>,
        tpu.vector_store %arg7[%swap3A_294], %mul3A_289 {strides = array<i32>} : memref<8192xf32, #tpu.memory_space<vmem>>, vector<16xf32>,
        %mul3A_296 = arith.constant 128 : i32
        %mul3A_297 = arith.muli %scan3A_271, %mul3A_296 : i32
        %add3A_298 = arith.constant 32 : i32
        %add3A_299 = arith.addi %mul3A_297, %add3A_298 : i32
        %gather3A_300 = tpu.memref_slice %arg5[%add3A_299] : memref<32768xf32, #tpu.memory_space<vmem>> -> memref<96xf32, #tpu.memory_space<vmem>>
        %gather3A_301 = tpu.vector_load_idx %gather3A_300[%add3A_8] : memref<96xf32, #tpu.memory_space<vmem>>[vector<16xi32>], vector<16xf32>,
        %gather3A_302 = tpu.memref_slice %arg5[%add3A_299] : memref<32768xf32, #tpu.memory_space<vmem>> -> memref<96xf32, #tpu.memory_space<vmem>>
        %gather3A_303 = tpu.vector_load_idx %gather3A_302[%add3A_14] : memref<96xf32, #tpu.memory_space<vmem>>[vector<16xi32>], vector<16xf32>,
        %gather3A_304 = tpu.memref_slice %arg5[%add3A_299] : memref<32768xf32, #tpu.memory_space<vmem>> -> memref<96xf32, #tpu.memory_space<vmem>>
        %gather3A_305 = tpu.vector_load_idx %gather3A_304[%add3A_20] : memref<96xf32, #tpu.memory_space<vmem>>[vector<16xi32>], vector<16xf32>,
        %gather3A_306 = tpu.memref_slice %arg5[%add3A_299] : memref<32768xf32, #tpu.memory_space<vmem>> -> memref<96xf32, #tpu.memory_space<vmem>>
        %gather3A_307 = tpu.vector_load_idx %gather3A_306[%add3A_26] : memref<96xf32, #tpu.memory_space<vmem>>[vector<16xi32>], vector<16xf32>,
        %add3A_308 = arith.addf %gather3A_301, %gather3A_303 : vector<16xf32>
        %add3A_309 = arith.addf %gather3A_305, %gather3A_307 : vector<16xf32>
        %add3A_310 = arith.addf %add3A_308, %add3A_309 : vector<16xf32>
        %mul3A_311 = arith.constant 2.500000e-01 : f32
        %mul3A_312 = vector.broadcast %mul3A_311 : f32 to vector<16xf32>
        %mul3A_313 = arith.mulf %add3A_310, %mul3A_312 : vector<16xf32>
        %mul3A_314 = arith.constant 32 : i32
        %mul3A_315 = arith.muli %scan3A_271, %mul3A_314 : i32
        %add3A_316 = arith.constant 16 : i32
        %add3A_317 = arith.addi %mul3A_315, %add3A_316 : i32
        %swap3A_318 = arith.index_cast %add3A_317 : i32 to index
        %swap3A_319 = tpu.vector_load %arg7[%swap3A_318] {strides = array<i32>} : memref<8192xf32, #tpu.memory_space<vmem>>, vector<16xf32>,
        tpu.vector_store %arg7[%swap3A_318], %mul3A_313 {strides = array<i32>} : memref<8192xf32, #tpu.memory_space<vmem>>, vector<16xf32>,
        %scan3A_320 = arith.constant 0 : i32
        %scan3A_321 = arith.constant 4 : i32
        %scan3A_322 = arith.addi %scan3A_119, %scan3A_321 : i32
        %mul3A_323 = arith.constant 128 : i32
        %mul3A_324 = arith.muli %scan3A_322, %mul3A_323 : i32
        %add3A_325 = arith.constant 0 : i32
        %add3A_326 = arith.addi %mul3A_324, %add3A_325 : i32
        %gather3A_327 = tpu.memref_slice %arg5[%add3A_326] : memref<32768xf32, #tpu.memory_space<vmem>> -> memref<96xf32, #tpu.memory_space<vmem>>
        %gather3A_328 = tpu.vector_load_idx %gather3A_327[%add3A_8] : memref<96xf32, #tpu.memory_space<vmem>>[vector<16xi32>], vector<16xf32>,
        %gather3A_329 = tpu.memref_slice %arg5[%add3A_326] : memref<32768xf32, #tpu.memory_space<vmem>> -> memref<96xf32, #tpu.memory_space<vmem>>
        %gather3A_330 = tpu.vector_load_idx %gather3A_329[%add3A_14] : memref<96xf32, #tpu.memory_space<vmem>>[vector<16xi32>], vector<16xf32>,
        %gather3A_331 = tpu.memref_slice %arg5[%add3A_326] : memref<32768xf32, #tpu.memory_space<vmem>> -> memref<96xf32, #tpu.memory_space<vmem>>
        %gather3A_332 = tpu.vector_load_idx %gather3A_331[%add3A_20] : memref<96xf32, #tpu.memory_space<vmem>>[vector<16xi32>], vector<16xf32>,
        %gather3A_333 = tpu.memref_slice %arg5[%add3A_326] : memref<32768xf32, #tpu.memory_space<vmem>> -> memref<96xf32, #tpu.memory_space<vmem>>
        %gather3A_334 = tpu.vector_load_idx %gather3A_333[%add3A_26] : memref<96xf32, #tpu.memory_space<vmem>>[vector<16xi32>], vector<16xf32>,
        %add3A_335 = arith.addf %gather3A_328, %gather3A_330 : vector<16xf32>
        %add3A_336 = arith.addf %gather3A_332, %gather3A_334 : vector<16xf32>
        %add3A_337 = arith.addf %add3A_335, %add3A_336 : vector<16xf32>
        %mul3A_338 = arith.constant 2.500000e-01 : f32
        %mul3A_339 = vector.broadcast %mul3A_338 : f32 to vector<16xf32>
        %mul3A_340 = arith.mulf %add3A_337, %mul3A_339 : vector<16xf32>
        %mul3A_341 = arith.constant 32 : i32
        %mul3A_342 = arith.muli %scan3A_322, %mul3A_341 : i32
        %add3A_343 = arith.constant 0 : i32
        %add3A_344 = arith.addi %mul3A_342, %add3A_343 : i32
        %swap3A_345 = arith.index_cast %add3A_344 : i32 to index
        %swap3A_346 = tpu.vector_load %arg7[%swap3A_345] {strides = array<i32>} : memref<8192xf32, #tpu.memory_space<vmem>>, vector<16xf32>,
        tpu.vector_store %arg7[%swap3A_345], %mul3A_340 {strides = array<i32>} : memref<8192xf32, #tpu.memory_space<vmem>>, vector<16xf32>,
        %mul3A_347 = arith.constant 128 : i32
        %mul3A_348 = arith.muli %scan3A_322, %mul3A_347 : i32
        %add3A_349 = arith.constant 32 : i32
        %add3A_350 = arith.addi %mul3A_348, %add3A_349 : i32
        %gather3A_351 = tpu.memref_slice %arg5[%add3A_350] : memref<32768xf32, #tpu.memory_space<vmem>> -> memref<96xf32, #tpu.memory_space<vmem>>
        %gather3A_352 = tpu.vector_load_idx %gather3A_351[%add3A_8] : memref<96xf32, #tpu.memory_space<vmem>>[vector<16xi32>], vector<16xf32>,
        %gather3A_353 = tpu.memref_slice %arg5[%add3A_350] : memref<32768xf32, #tpu.memory_space<vmem>> -> memref<96xf32, #tpu.memory_space<vmem>>
        %gather3A_354 = tpu.vector_load_idx %gather3A_353[%add3A_14] : memref<96xf32, #tpu.memory_space<vmem>>[vector<16xi32>], vector<16xf32>,
        %gather3A_355 = tpu.memref_slice %arg5[%add3A_350] : memref<32768xf32, #tpu.memory_space<vmem>> -> memref<96xf32, #tpu.memory_space<vmem>>
        %gather3A_356 = tpu.vector_load_idx %gather3A_355[%add3A_20] : memref<96xf32, #tpu.memory_space<vmem>>[vector<16xi32>], vector<16xf32>,
        %gather3A_357 = tpu.memref_slice %arg5[%add3A_350] : memref<32768xf32, #tpu.memory_space<vmem>> -> memref<96xf32, #tpu.memory_space<vmem>>
        %gather3A_358 = tpu.vector_load_idx %gather3A_357[%add3A_26] : memref<96xf32, #tpu.memory_space<vmem>>[vector<16xi32>], vector<16xf32>,
        %add3A_359 = arith.addf %gather3A_352, %gather3A_354 : vector<16xf32>
        %add3A_360 = arith.addf %gather3A_356, %gather3A_358 : vector<16xf32>
        %add3A_361 = arith.addf %add3A_359, %add3A_360 : vector<16xf32>
        %mul3A_362 = arith.constant 2.500000e-01 : f32
        %mul3A_363 = vector.broadcast %mul3A_362 : f32 to vector<16xf32>
        %mul3A_364 = arith.mulf %add3A_361, %mul3A_363 : vector<16xf32>
        %mul3A_365 = arith.constant 32 : i32
        %mul3A_366 = arith.muli %scan3A_322, %mul3A_365 : i32
        %add3A_367 = arith.constant 16 : i32
        %add3A_368 = arith.addi %mul3A_366, %add3A_367 : i32
        %swap3A_369 = arith.index_cast %add3A_368 : i32 to index
        %swap3A_370 = tpu.vector_load %arg7[%swap3A_369] {strides = array<i32>} : memref<8192xf32, #tpu.memory_space<vmem>>, vector<16xf32>,
        tpu.vector_store %arg7[%swap3A_369], %mul3A_364 {strides = array<i32>} : memref<8192xf32, #tpu.memory_space<vmem>>, vector<16xf32>,
        %scan3A_371 = arith.constant 0 : i32
        %scan3A_372 = arith.constant 5 : i32
        %scan3A_373 = arith.addi %scan3A_119, %scan3A_372 : i32
        %mul3A_374 = arith.constant 128 : i32
        %mul3A_375 = arith.muli %scan3A_373, %mul3A_374 : i32
        %add3A_376 = arith.constant 0 : i32
        %add3A_377 = arith.addi %mul3A_375, %add3A_376 : i32
        %gather3A_378 = tpu.memref_slice %arg5[%add3A_377] : memref<32768xf32, #tpu.memory_space<vmem>> -> memref<96xf32, #tpu.memory_space<vmem>>
        %gather3A_379 = tpu.vector_load_idx %gather3A_378[%add3A_8] : memref<96xf32, #tpu.memory_space<vmem>>[vector<16xi32>], vector<16xf32>,
        %gather3A_380 = tpu.memref_slice %arg5[%add3A_377] : memref<32768xf32, #tpu.memory_space<vmem>> -> memref<96xf32, #tpu.memory_space<vmem>>
        %gather3A_381 = tpu.vector_load_idx %gather3A_380[%add3A_14] : memref<96xf32, #tpu.memory_space<vmem>>[vector<16xi32>], vector<16xf32>,
        %gather3A_382 = tpu.memref_slice %arg5[%add3A_377] : memref<32768xf32, #tpu.memory_space<vmem>> -> memref<96xf32, #tpu.memory_space<vmem>>
        %gather3A_383 = tpu.vector_load_idx %gather3A_382[%add3A_20] : memref<96xf32, #tpu.memory_space<vmem>>[vector<16xi32>], vector<16xf32>,
        %gather3A_384 = tpu.memref_slice %arg5[%add3A_377] : memref<32768xf32, #tpu.memory_space<vmem>> -> memref<96xf32, #tpu.memory_space<vmem>>
        %gather3A_385 = tpu.vector_load_idx %gather3A_384[%add3A_26] : memref<96xf32, #tpu.memory_space<vmem>>[vector<16xi32>], vector<16xf32>,
        %add3A_386 = arith.addf %gather3A_379, %gather3A_381 : vector<16xf32>
        %add3A_387 = arith.addf %gather3A_383, %gather3A_385 : vector<16xf32>
        %add3A_388 = arith.addf %add3A_386, %add3A_387 : vector<16xf32>
        %mul3A_389 = arith.constant 2.500000e-01 : f32
        %mul3A_390 = vector.broadcast %mul3A_389 : f32 to vector<16xf32>
        %mul3A_391 = arith.mulf %add3A_388, %mul3A_390 : vector<16xf32>
        %mul3A_392 = arith.constant 32 : i32
        %mul3A_393 = arith.muli %scan3A_373, %mul3A_392 : i32
        %add3A_394 = arith.constant 0 : i32
        %add3A_395 = arith.addi %mul3A_393, %add3A_394 : i32
        %swap3A_396 = arith.index_cast %add3A_395 : i32 to index
        %swap3A_397 = tpu.vector_load %arg7[%swap3A_396] {strides = array<i32>} : memref<8192xf32, #tpu.memory_space<vmem>>, vector<16xf32>,
        tpu.vector_store %arg7[%swap3A_396], %mul3A_391 {strides = array<i32>} : memref<8192xf32, #tpu.memory_space<vmem>>, vector<16xf32>,
        %mul3A_398 = arith.constant 128 : i32
        %mul3A_399 = arith.muli %scan3A_373, %mul3A_398 : i32
        %add3A_400 = arith.constant 32 : i32
        %add3A_401 = arith.addi %mul3A_399, %add3A_400 : i32
        %gather3A_402 = tpu.memref_slice %arg5[%add3A_401] : memref<32768xf32, #tpu.memory_space<vmem>> -> memref<96xf32, #tpu.memory_space<vmem>>
        %gather3A_403 = tpu.vector_load_idx %gather3A_402[%add3A_8] : memref<96xf32, #tpu.memory_space<vmem>>[vector<16xi32>], vector<16xf32>,
        %gather3A_404 = tpu.memref_slice %arg5[%add3A_401] : memref<32768xf32, #tpu.memory_space<vmem>> -> memref<96xf32, #tpu.memory_space<vmem>>
        %gather3A_405 = tpu.vector_load_idx %gather3A_404[%add3A_14] : memref<96xf32, #tpu.memory_space<vmem>>[vector<16xi32>], vector<16xf32>,
        %gather3A_406 = tpu.memref_slice %arg5[%add3A_401] : memref<32768xf32, #tpu.memory_space<vmem>> -> memref<96xf32, #tpu.memory_space<vmem>>
        %gather3A_407 = tpu.vector_load_idx %gather3A_406[%add3A_20] : memref<96xf32, #tpu.memory_space<vmem>>[vector<16xi32>], vector<16xf32>,
        %gather3A_408 = tpu.memref_slice %arg5[%add3A_401] : memref<32768xf32, #tpu.memory_space<vmem>> -> memref<96xf32, #tpu.memory_space<vmem>>
        %gather3A_409 = tpu.vector_load_idx %gather3A_408[%add3A_26] : memref<96xf32, #tpu.memory_space<vmem>>[vector<16xi32>], vector<16xf32>,
        %add3A_410 = arith.addf %gather3A_403, %gather3A_405 : vector<16xf32>
        %add3A_411 = arith.addf %gather3A_407, %gather3A_409 : vector<16xf32>
        %add3A_412 = arith.addf %add3A_410, %add3A_411 : vector<16xf32>
        %mul3A_413 = arith.constant 2.500000e-01 : f32
        %mul3A_414 = vector.broadcast %mul3A_413 : f32 to vector<16xf32>
        %mul3A_415 = arith.mulf %add3A_412, %mul3A_414 : vector<16xf32>
        %mul3A_416 = arith.constant 32 : i32
        %mul3A_417 = arith.muli %scan3A_373, %mul3A_416 : i32
        %add3A_418 = arith.constant 16 : i32
        %add3A_419 = arith.addi %mul3A_417, %add3A_418 : i32
        %swap3A_420 = arith.index_cast %add3A_419 : i32 to index
        %swap3A_421 = tpu.vector_load %arg7[%swap3A_420] {strides = array<i32>} : memref<8192xf32, #tpu.memory_space<vmem>>, vector<16xf32>,
        tpu.vector_store %arg7[%swap3A_420], %mul3A_415 {strides = array<i32>} : memref<8192xf32, #tpu.memory_space<vmem>>, vector<16xf32>,
        %scan3A_422 = arith.constant 0 : i32
        %scan3A_423 = arith.constant 6 : i32
        %scan3A_424 = arith.addi %scan3A_119, %scan3A_423 : i32
        %mul3A_425 = arith.constant 128 : i32
        %mul3A_426 = arith.muli %scan3A_424, %mul3A_425 : i32
        %add3A_427 = arith.constant 0 : i32
        %add3A_428 = arith.addi %mul3A_426, %add3A_427 : i32
        %gather3A_429 = tpu.memref_slice %arg5[%add3A_428] : memref<32768xf32, #tpu.memory_space<vmem>> -> memref<96xf32, #tpu.memory_space<vmem>>
        %gather3A_430 = tpu.vector_load_idx %gather3A_429[%add3A_8] : memref<96xf32, #tpu.memory_space<vmem>>[vector<16xi32>], vector<16xf32>,
        %gather3A_431 = tpu.memref_slice %arg5[%add3A_428] : memref<32768xf32, #tpu.memory_space<vmem>> -> memref<96xf32, #tpu.memory_space<vmem>>
        %gather3A_432 = tpu.vector_load_idx %gather3A_431[%add3A_14] : memref<96xf32, #tpu.memory_space<vmem>>[vector<16xi32>], vector<16xf32>,
        %gather3A_433 = tpu.memref_slice %arg5[%add3A_428] : memref<32768xf32, #tpu.memory_space<vmem>> -> memref<96xf32, #tpu.memory_space<vmem>>
        %gather3A_434 = tpu.vector_load_idx %gather3A_433[%add3A_20] : memref<96xf32, #tpu.memory_space<vmem>>[vector<16xi32>], vector<16xf32>,
        %gather3A_435 = tpu.memref_slice %arg5[%add3A_428] : memref<32768xf32, #tpu.memory_space<vmem>> -> memref<96xf32, #tpu.memory_space<vmem>>
        %gather3A_436 = tpu.vector_load_idx %gather3A_435[%add3A_26] : memref<96xf32, #tpu.memory_space<vmem>>[vector<16xi32>], vector<16xf32>,
        %add3A_437 = arith.addf %gather3A_430, %gather3A_432 : vector<16xf32>
        %add3A_438 = arith.addf %gather3A_434, %gather3A_436 : vector<16xf32>
        %add3A_439 = arith.addf %add3A_437, %add3A_438 : vector<16xf32>
        %mul3A_440 = arith.constant 2.500000e-01 : f32
        %mul3A_441 = vector.broadcast %mul3A_440 : f32 to vector<16xf32>
        %mul3A_442 = arith.mulf %add3A_439, %mul3A_441 : vector<16xf32>
        %mul3A_443 = arith.constant 32 : i32
        %mul3A_444 = arith.muli %scan3A_424, %mul3A_443 : i32
        %add3A_445 = arith.constant 0 : i32
        %add3A_446 = arith.addi %mul3A_444, %add3A_445 : i32
        %swap3A_447 = arith.index_cast %add3A_446 : i32 to index
        %swap3A_448 = tpu.vector_load %arg7[%swap3A_447] {strides = array<i32>} : memref<8192xf32, #tpu.memory_space<vmem>>, vector<16xf32>,
        tpu.vector_store %arg7[%swap3A_447], %mul3A_442 {strides = array<i32>} : memref<8192xf32, #tpu.memory_space<vmem>>, vector<16xf32>,
        %mul3A_449 = arith.constant 128 : i32
        %mul3A_450 = arith.muli %scan3A_424, %mul3A_449 : i32
        %add3A_451 = arith.constant 32 : i32
        %add3A_452 = arith.addi %mul3A_450, %add3A_451 : i32
        %gather3A_453 = tpu.memref_slice %arg5[%add3A_452] : memref<32768xf32, #tpu.memory_space<vmem>> -> memref<96xf32, #tpu.memory_space<vmem>>
        %gather3A_454 = tpu.vector_load_idx %gather3A_453[%add3A_8] : memref<96xf32, #tpu.memory_space<vmem>>[vector<16xi32>], vector<16xf32>,
        %gather3A_455 = tpu.memref_slice %arg5[%add3A_452] : memref<32768xf32, #tpu.memory_space<vmem>> -> memref<96xf32, #tpu.memory_space<vmem>>
        %gather3A_456 = tpu.vector_load_idx %gather3A_455[%add3A_14] : memref<96xf32, #tpu.memory_space<vmem>>[vector<16xi32>], vector<16xf32>,
        %gather3A_457 = tpu.memref_slice %arg5[%add3A_452] : memref<32768xf32, #tpu.memory_space<vmem>> -> memref<96xf32, #tpu.memory_space<vmem>>
        %gather3A_458 = tpu.vector_load_idx %gather3A_457[%add3A_20] : memref<96xf32, #tpu.memory_space<vmem>>[vector<16xi32>], vector<16xf32>,
        %gather3A_459 = tpu.memref_slice %arg5[%add3A_452] : memref<32768xf32, #tpu.memory_space<vmem>> -> memref<96xf32, #tpu.memory_space<vmem>>
        %gather3A_460 = tpu.vector_load_idx %gather3A_459[%add3A_26] : memref<96xf32, #tpu.memory_space<vmem>>[vector<16xi32>], vector<16xf32>,
        %add3A_461 = arith.addf %gather3A_454, %gather3A_456 : vector<16xf32>
        %add3A_462 = arith.addf %gather3A_458, %gather3A_460 : vector<16xf32>
        %add3A_463 = arith.addf %add3A_461, %add3A_462 : vector<16xf32>
        %mul3A_464 = arith.constant 2.500000e-01 : f32
        %mul3A_465 = vector.broadcast %mul3A_464 : f32 to vector<16xf32>
        %mul3A_466 = arith.mulf %add3A_463, %mul3A_465 : vector<16xf32>
        %mul3A_467 = arith.constant 32 : i32
        %mul3A_468 = arith.muli %scan3A_424, %mul3A_467 : i32
        %add3A_469 = arith.constant 16 : i32
        %add3A_470 = arith.addi %mul3A_468, %add3A_469 : i32
        %swap3A_471 = arith.index_cast %add3A_470 : i32 to index
        %swap3A_472 = tpu.vector_load %arg7[%swap3A_471] {strides = array<i32>} : memref<8192xf32, #tpu.memory_space<vmem>>, vector<16xf32>,
        tpu.vector_store %arg7[%swap3A_471], %mul3A_466 {strides = array<i32>} : memref<8192xf32, #tpu.memory_space<vmem>>, vector<16xf32>,
        %scan3A_473 = arith.constant 0 : i32
        %scan3A_474 = arith.constant 7 : i32
        %scan3A_475 = arith.addi %scan3A_119, %scan3A_474 : i32
        %mul3A_476 = arith.constant 128 : i32
        %mul3A_477 = arith.muli %scan3A_475, %mul3A_476 : i32
        %add3A_478 = arith.constant 0 : i32
        %add3A_479 = arith.addi %mul3A_477, %add3A_478 : i32
        %gather3A_480 = tpu.memref_slice %arg5[%add3A_479] : memref<32768xf32, #tpu.memory_space<vmem>> -> memref<96xf32, #tpu.memory_space<vmem>>
        %gather3A_481 = tpu.vector_load_idx %gather3A_480[%add3A_8] : memref<96xf32, #tpu.memory_space<vmem>>[vector<16xi32>], vector<16xf32>,
        %gather3A_482 = tpu.memref_slice %arg5[%add3A_479] : memref<32768xf32, #tpu.memory_space<vmem>> -> memref<96xf32, #tpu.memory_space<vmem>>
        %gather3A_483 = tpu.vector_load_idx %gather3A_482[%add3A_14] : memref<96xf32, #tpu.memory_space<vmem>>[vector<16xi32>], vector<16xf32>,
        %gather3A_484 = tpu.memref_slice %arg5[%add3A_479] : memref<32768xf32, #tpu.memory_space<vmem>> -> memref<96xf32, #tpu.memory_space<vmem>>
        %gather3A_485 = tpu.vector_load_idx %gather3A_484[%add3A_20] : memref<96xf32, #tpu.memory_space<vmem>>[vector<16xi32>], vector<16xf32>,
        %gather3A_486 = tpu.memref_slice %arg5[%add3A_479] : memref<32768xf32, #tpu.memory_space<vmem>> -> memref<96xf32, #tpu.memory_space<vmem>>
        %gather3A_487 = tpu.vector_load_idx %gather3A_486[%add3A_26] : memref<96xf32, #tpu.memory_space<vmem>>[vector<16xi32>], vector<16xf32>,
        %add3A_488 = arith.addf %gather3A_481, %gather3A_483 : vector<16xf32>
        %add3A_489 = arith.addf %gather3A_485, %gather3A_487 : vector<16xf32>
        %add3A_490 = arith.addf %add3A_488, %add3A_489 : vector<16xf32>
        %mul3A_491 = arith.constant 2.500000e-01 : f32
        %mul3A_492 = vector.broadcast %mul3A_491 : f32 to vector<16xf32>
        %mul3A_493 = arith.mulf %add3A_490, %mul3A_492 : vector<16xf32>
        %mul3A_494 = arith.constant 32 : i32
        %mul3A_495 = arith.muli %scan3A_475, %mul3A_494 : i32
        %add3A_496 = arith.constant 0 : i32
        %add3A_497 = arith.addi %mul3A_495, %add3A_496 : i32
        %swap3A_498 = arith.index_cast %add3A_497 : i32 to index
        %swap3A_499 = tpu.vector_load %arg7[%swap3A_498] {strides = array<i32>} : memref<8192xf32, #tpu.memory_space<vmem>>, vector<16xf32>,
        tpu.vector_store %arg7[%swap3A_498], %mul3A_493 {strides = array<i32>} : memref<8192xf32, #tpu.memory_space<vmem>>, vector<16xf32>,
        %mul3A_500 = arith.constant 128 : i32
        %mul3A_501 = arith.muli %scan3A_475, %mul3A_500 : i32
        %add3A_502 = arith.constant 32 : i32
        %add3A_503 = arith.addi %mul3A_501, %add3A_502 : i32
        %gather3A_504 = tpu.memref_slice %arg5[%add3A_503] : memref<32768xf32, #tpu.memory_space<vmem>> -> memref<96xf32, #tpu.memory_space<vmem>>
        %gather3A_505 = tpu.vector_load_idx %gather3A_504[%add3A_8] : memref<96xf32, #tpu.memory_space<vmem>>[vector<16xi32>], vector<16xf32>,
        %gather3A_506 = tpu.memref_slice %arg5[%add3A_503] : memref<32768xf32, #tpu.memory_space<vmem>> -> memref<96xf32, #tpu.memory_space<vmem>>
        %gather3A_507 = tpu.vector_load_idx %gather3A_506[%add3A_14] : memref<96xf32, #tpu.memory_space<vmem>>[vector<16xi32>], vector<16xf32>,
        %gather3A_508 = tpu.memref_slice %arg5[%add3A_503] : memref<32768xf32, #tpu.memory_space<vmem>> -> memref<96xf32, #tpu.memory_space<vmem>>
        %gather3A_509 = tpu.vector_load_idx %gather3A_508[%add3A_20] : memref<96xf32, #tpu.memory_space<vmem>>[vector<16xi32>], vector<16xf32>,
        %gather3A_510 = tpu.memref_slice %arg5[%add3A_503] : memref<32768xf32, #tpu.memory_space<vmem>> -> memref<96xf32, #tpu.memory_space<vmem>>
        %gather3A_511 = tpu.vector_load_idx %gather3A_510[%add3A_26] : memref<96xf32, #tpu.memory_space<vmem>>[vector<16xi32>], vector<16xf32>,
        %add3A_512 = arith.addf %gather3A_505, %gather3A_507 : vector<16xf32>
        %add3A_513 = arith.addf %gather3A_509, %gather3A_511 : vector<16xf32>
        %add3A_514 = arith.addf %add3A_512, %add3A_513 : vector<16xf32>
        %mul3A_515 = arith.constant 2.500000e-01 : f32
        %mul3A_516 = vector.broadcast %mul3A_515 : f32 to vector<16xf32>
        %mul3A_517 = arith.mulf %add3A_514, %mul3A_516 : vector<16xf32>
        %mul3A_518 = arith.constant 32 : i32
        %mul3A_519 = arith.muli %scan3A_475, %mul3A_518 : i32
        %add3A_520 = arith.constant 16 : i32
        %add3A_521 = arith.addi %mul3A_519, %add3A_520 : i32
        %swap3A_522 = arith.index_cast %add3A_521 : i32 to index
        %swap3A_523 = tpu.vector_load %arg7[%swap3A_522] {strides = array<i32>} : memref<8192xf32, #tpu.memory_space<vmem>>, vector<16xf32>,
        tpu.vector_store %arg7[%swap3A_522], %mul3A_517 {strides = array<i32>} : memref<8192xf32, #tpu.memory_space<vmem>>, vector<16xf32>,
        %scan3A_524 = arith.constant 0 : i32
        scf.yield %scan3A_524 : i32
      }
      %scan3A_111 = arith.constant 256 : i32
      %dma_start3A_112 = arith.constant 0 : i32
      %dma_start3A_113 = tpu.memref_slice %arg3[%add3A_89, %dma_start3A_112] : memref<512x8192xf32, #tpu.memory_space<hbm>> -> memref<1x8192xf32, #tpu.memory_space<hbm>>
      %dma_start3A_114 = tpu.memref_squeeze %dma_start3A_113 : memref<1x8192xf32, #tpu.memory_space<hbm>> -> memref<8192xf32, #tpu.memory_space<hbm>>
      %dma_start3A_115 = arith.constant 0 : i32
      %dma_start3A_116 = tpu.memref_slice %arg3[%add3A_89, %dma_start3A_115] : memref<512x8192xf32, #tpu.memory_space<hbm>> -> memref<1x8192xf32, #tpu.memory_space<hbm>>
      %dma_start3A_117 = tpu.memref_squeeze %dma_start3A_116 : memref<1x8192xf32, #tpu.memory_space<hbm>> -> memref<8192xf32, #tpu.memory_space<hbm>>
      tpu.enqueue_dma source(%arg7 : memref<8192xf32, #tpu.memory_space<vmem>>) target(%dma_start3A_117 : memref<8192xf32, #tpu.memory_space<hbm>>) target_semaphore(%arg11 : memref<!tpu.dma_semaphore, #tpu.memory_space<semaphore_mem>>)
      %scan3A_118 = arith.constant 0 : i32
      scf.yield %scan3A_118 : i32
    }
    %scan3A_37 = arith.constant 8 : i32
    %dma_wait3A = arith.constant 0 : i32
    %dma_wait3A_38 = tpu.memref_slice %arg3[%mul3A_2, %dma_wait3A] : memref<512x8192xf32, #tpu.memory_space<hbm>> -> memref<1x8192xf32, #tpu.memory_space<hbm>>
    %dma_wait3A_39 = tpu.memref_squeeze %dma_wait3A_38 : memref<1x8192xf32, #tpu.memory_space<hbm>> -> memref<8192xf32, #tpu.memory_space<hbm>>
    %dma_wait3A_40 = arith.constant 0 : i32
    %dma_wait3A_41 = tpu.memref_slice %arg3[%mul3A_2, %dma_wait3A_40] : memref<512x8192xf32, #tpu.memory_space<hbm>> -> memref<1x8192xf32, #tpu.memory_space<hbm>>
    %dma_wait3A_42 = tpu.memref_squeeze %dma_wait3A_41 : memref<1x8192xf32, #tpu.memory_space<hbm>> -> memref<8192xf32, #tpu.memory_space<hbm>>
    tpu.wait_dma2 semaphore(%arg10 : memref<!tpu.dma_semaphore, #tpu.memory_space<semaphore_mem>>) src(%arg6 : memref<8192xf32, #tpu.memory_space<vmem>>) dst(%dma_wait3A_42 : memref<8192xf32, #tpu.memory_space<hbm>>)
    %dma_wait3A_43 = arith.constant 0 : i32
    %dma_wait3A_44 = tpu.memref_slice %arg3[%mul3A_2, %dma_wait3A_43] : memref<512x8192xf32, #tpu.memory_space<hbm>> -> memref<1x8192xf32, #tpu.memory_space<hbm>>
    %dma_wait3A_45 = tpu.memref_squeeze %dma_wait3A_44 : memref<1x8192xf32, #tpu.memory_space<hbm>> -> memref<8192xf32, #tpu.memory_space<hbm>>
    %dma_wait3A_46 = arith.constant 0 : i32
    %dma_wait3A_47 = tpu.memref_slice %arg3[%mul3A_2, %dma_wait3A_46] : memref<512x8192xf32, #tpu.memory_space<hbm>> -> memref<1x8192xf32, #tpu.memory_space<hbm>>
    %dma_wait3A_48 = tpu.memref_squeeze %dma_wait3A_47 : memref<1x8192xf32, #tpu.memory_space<hbm>> -> memref<8192xf32, #tpu.memory_space<hbm>>
    tpu.wait_dma2 semaphore(%arg11 : memref<!tpu.dma_semaphore, #tpu.memory_space<semaphore_mem>>) src(%arg7 : memref<8192xf32, #tpu.memory_space<vmem>>) dst(%dma_wait3A_48 : memref<8192xf32, #tpu.memory_space<hbm>>)
    return
  }
}

module attributes {stable_mosaic.version = 14 : i64} {
  func.func @_tc_body(%arg0: i32, %arg1: memref<2048x128xf32, #tpu.memory_space<vmem>>, %arg2: memref<64x32xf32, #tpu.memory_space<vmem>>, %arg3: memref<2048x32xf32, #tpu.memory_space<vmem>>) attributes {dimension_semantics = [#tpu.dimension_semantics<arbitrary>], iteration_bounds = array<i64: 128>, scalar_prefetch = 0 : i64, scratch_operands = 0 : i64, tpu.core_type = #tpu.core_type<tc>, window_params = [{transform_indices = @transform_0, window_bounds = array<i64: 2048, 128>}, {pipeline_mode = #tpu.pipeline_mode<synchronous>, transform_indices = @transform_1, window_bounds = array<i64: 64, 32>}, {transform_indices = @transform_2, window_bounds = array<i64: 2048, 32>}]} {
    %get3A = arith.constant 0 : index
    %get3A_0 = arith.constant 0 : index
    %get3A_1 = vector.load %arg1[%get3A, %get3A_0] : memref<2048x128xf32, #tpu.memory_space<vmem>>, vector<2048x128xf32>
    %slice3A = vector.extract_strided_slice %get3A_1 {offsets = [0, 0], sizes = [2048, 64], strides = [1, 1]} : vector<2048x128xf32> to vector<2048x64xf32>
    %slice3A_2 = vector.extract_strided_slice %get3A_1 {offsets = [0, 64], sizes = [2048, 64], strides = [1, 1]} : vector<2048x128xf32> to vector<2048x64xf32>
    %add3A = arith.addf %slice3A, %slice3A_2 : vector<2048x64xf32>
    %get3A_3 = arith.constant 0 : index
    %get3A_4 = arith.constant 0 : index
    %get3A_5 = vector.load %arg2[%get3A_3, %get3A_4] : memref<64x32xf32, #tpu.memory_space<vmem>>, vector<64x32xf32>
    %dot_general3A = arith.constant dense<0.000000e+00> : vector<2048x32xf32>
    %dot_general3A_6 = tpu.matmul %add3A, %get3A_5, %dot_general3A {dimension_numbers = #tpu.dot_dimension_numbers<[1], [0], [0], [1], [0, 0, 1, 1], [], []>, precision = #tpu.contract_precision<fp32>, transpose_lhs_hint = false} : vector<2048x64xf32>, vector<64x32xf32>, vector<2048x32xf32> -> vector<2048x32xf32>
    %swap3A = arith.constant 0 : index
    %swap3A_7 = arith.constant 0 : index
    %swap3A_8 = vector.load %arg3[%swap3A, %swap3A_7] : memref<2048x32xf32, #tpu.memory_space<vmem>>, vector<2048x32xf32>
    tpu.vector_store %arg3[%swap3A, %swap3A_7], %dot_general3A_6 {strides = array<i32>} : memref<2048x32xf32, #tpu.memory_space<vmem>>, vector<2048x32xf32>,
    return
  }
  func.func @transform_0(%arg0: i32) -> (i32, i32) {
    %add3A = arith.constant 64 : i32
    %add3A_0 = arith.addi %arg0, %add3A : i32
    %c0_i32 = arith.constant 0 : i32
    %c0_i32_1 = arith.constant 0 : i32
    return %add3A_0, %c0_i32 : i32, i32
  }
  func.func @transform_1(%arg0: i32) -> (i32, i32) {
    %c0_i32 = arith.constant 0 : i32
    %c0_i32_0 = arith.constant 0 : i32
    %c0_i32_1 = arith.constant 0 : i32
    return %c0_i32, %c0_i32_0 : i32, i32
  }
  func.func @transform_2(%arg0: i32) -> (i32, i32) {
    %c0_i32 = arith.constant 0 : i32
    %c0_i32_0 = arith.constant 0 : i32
    return %arg0, %c0_i32 : i32, i32
  }
}

</mosaic_0001>

<sc_bundles>
// kernel: kernel.4.cloned.1.call-start
scs
__scs_entry_jumppad:
0x0: {  	(pc) =	sbr.rel $0x88, $3  }
0x1: {  	(tag) =	ssettag $0x0;
	lr =	simm.s32 $0x1  }
0x2: {  	[smem:$0x3FA0] =	sst lr;
	_ =	strace $0xD0000000  }
0x3: {  	_ = 	snop  }
0x4: {  	_ = 	snop  }
0x5: {  	_ = 	snop  }
0x6: {  	_ = 	snop  }
0x7: {  	_ = 	snop  }
__scs_overlays_trampoline_lowered:
0x8: {  	[smem:$0x3FAF] =	sst s0  }
0x9: {  	[smem:$0x3FB0] =	sst s1  }
0xa: {  	[smem:$0x3FB1] =	sst s2  }
0xb: {  	[smem:$0x3FB2] =	sst s3  }
0xc: {  	[smem:$0x3FB3] =	sst s4  }
0xd: {  	[smem:$0x3FB4] =	sst s5  }
0xe: {  	[smem:$0x3FB5] =	sst s6  }
0xf: {  	[smem:$0x3FB6] =	sst s7  }
0x10: {  	[smem:$0x3FB7] =	sst s8  }
0x11: {  	[smem:$0x3FB8] =	sst s9;
	s0 =	simm.s32 @!p0 $0x0  }
0x12: {  	s1 =	sld [smem:$0x3F9E];
	s0 =	simm.s32 @p0 $0x1  }
0x13: {  	[smem:$0x3FB9] =	sst s0;
	s0 =	simm.s32 @!p1 $0x0  }
0x14: {  	s2 =	sld [smem:$0x3F9D];
	s0 =	simm.s32 @p1 $0x1  }
0x15: {  	[smem:$0x3FBA] =	sst s0;
	s0 =	simm.s32 @!p2 $0x0  }
0x16: {  	s3 =	sld [smem:$0x3FDB];
	s0 =	simm.s32 @p2 $0x1  }
0x17: {  	s4 =	simm.s32 $0x1BF5;
	[smem:$0x3FBC] =	sst s0  }
0x18: {  	s0 =	sld [smem:$0x3F9F];
	_ =	swait.ge [sflag:s4], $0x0  }
0x19: {  	s7 =	sld [smem:$0x3FA0]  }
0x1a: {  	s8 =	sadd.s32 $0xFFFFE003, lr  }
0x1b: {  	s9 =	sadd.s32 $0xFFFFFEF7, lr;
	s5 =	simm.s32 $0xFFFFFFFF;
	p2 =	slt.u32 s8, $0xFFFFF086  }
0x1c: {  	p1 =	slt.u32 s9, $0xF7A;
	s5 =	simm.s32 @!p2 $0x0  }
0x1d: {  	s5 =	simm.s32 @p1 $0x1;
	p0 =	seq.s32 s7, s2  }
0x1e: {  	s7 =	smul.u32 @!p0 $0xF7A, s2;
	p2 =	seq.s32 @!p0 s5, $0x0  }
0x1f: {  	s9 =	smul.u32 $0xF7A, s1;
	s8 =	simm.s32 @!p0 $0x1BF5;
	p2 =	por !p2, p0  }
0x20: {  	[sflag:s8] =	ssyncset.s32 @!p0 $0xFFFFF086;
	s6 =	sadd.s32 @!p0 s3, s7;
	s7 =	simm.s32 @!p0 $0x108  }
0x21: {  	s3 =	sadd.s32 s3, s9;
	s6 =	sadd.s32 @!p0 $0x88, s6;
	s7 =	simm.s32 @p2 $0x1082  }
0x22: {  	[simem:s7], [sflag:s8] =	dma.local @!p0 [hbm:s6], $0xF7A  }
0x23: {  	s9 =	sor.u32 $0xD0000000, s2;
	s6 =	simm.s32 $0x108;
	_ =	swait.ge @!p0 [sflag:s8], $0x0  }
0x24: {  	s3 =	sadd.s32 $0x88, s3;
	s6 =	simm.s32 @!p1 $0x1082;
	[sflag:s4] =	ssyncset.s32 $0xFFFFF086  }
0x25: {  	[simem:s6], [sflag:s4] =	dma.local [hbm:s3], $0xF7A  }
0x26: {  	[smem:$0x3FA0] =	sst s1;
	(tag) =	ssettag s2;
	_ =	strace s9  }
0x27: {  	s1 =	sld [smem:$0x3FB0]  }
0x28: {  	s2 =	sld [smem:$0x3FB1]  }
0x29: {  	s4 =	sld [smem:$0x3FB3]  }
0x2a: {  	p0 =	seq.s32 s5, $0x0;
	s5 =	sld [smem:$0x3FB4]  }
0x2b: {  	s6 =	sld [smem:$0x3FB5]  }
0x2c: {  	s7 =	sld [smem:$0x3FB6]  }
0x2d: {  	s3 =	simm.s32 $0x108;
	s8 =	sld [smem:$0x3FB7]  }
0x2e: {  	s3 =	simm.s32 @!p0 $0x1082;
	s9 =	sld [smem:$0x3FB8]  }
0x2f: {  	lr =	sadd.s32 s0, s3;
	s0 =	sld [smem:$0x3FAF]  }
0x30: {  	s3 =	sld [smem:$0x3FB2]  }
0x31: {  	[smem:$0x3FBB] =	sst s10  }
0x32: {  	s10 =	sld [smem:$0x3FB9];
	_ =	sdelay $0x3  }
0x33: {  	p0 =	seq.s32 s10, $0x1;
	s10 =	sld [smem:$0x3FBB];
	_ =	sdelay $0x3  }
0x34: {  	[smem:$0x3FBB] =	sst s10  }
0x35: {  	s10 =	sld [smem:$0x3FBA];
	_ =	sdelay $0x3  }
0x36: {  	p1 =	seq.s32 s10, $0x1;
	s10 =	sld [smem:$0x3FBB];
	_ =	sdelay $0x3  }
0x37: {  	[smem:$0x3FBB] =	sst s10  }
0x38: {  	s10 =	sld [smem:$0x3FBC]  }
0x39: {  	_ = 	snop;
	(pc) =	sbr.ind lr, $3  }
0x3a: {  	_ = 	snop  }
0x3b: {  	_ = 	snop  }
0x3c: {  	p2 =	seq.s32 s10, $0x1;
	s10 =	sld [smem:$0x3FBB]  }
0x3d: {  	_ =	shalt  }
0x3e: {  	_ =	shalt  }
0x3f: {  	_ =	shalt  }
0x40: {  	_ =	shalt  }
0x41: {  	_ =	shalt  }
0x42: {  	_ =	shalt  }
0x43: {  	_ =	shalt  }
0x44: {  	_ =	shalt  }
0x45: {  	_ =	shalt  }
0x46: {  	_ =	shalt  }
0x47: {  	_ =	shalt  }
0x48: {  	_ =	shalt  }
0x49: {  	_ =	shalt  }
0x4a: {  	_ =	shalt  }
0x4b: {  	_ =	shalt  }
0x4c: {  	_ =	shalt  }
0x4d: {  	_ =	shalt  }
0x4e: {  	_ =	shalt  }
0x4f: {  	_ =	shalt  }
0x50: {  	_ =	shalt  }
0x51: {  	_ =	shalt  }
0x52: {  	_ =	shalt  }
0x53: {  	_ =	shalt  }
0x54: {  	_ =	shalt  }
0x55: {  	_ =	shalt  }
0x56: {  	_ =	shalt  }
0x57: {  	_ =	shalt  }
0x58: {  	_ =	shalt  }
0x59: {  	_ =	shalt  }
0x5a: {  	_ =	shalt  }
0x5b: {  	_ =	shalt  }
0x5c: {  	_ =	shalt  }
0x5d: {  	_ =	shalt  }
0x5e: {  	_ =	shalt  }
0x5f: {  	_ =	shalt  }
0x60: {  	_ =	shalt  }
0x61: {  	_ =	shalt  }
0x62: {  	_ =	shalt  }
0x63: {  	_ =	shalt  }
0x64: {  	_ =	shalt  }
0x65: {  	_ =	shalt  }
0x66: {  	_ =	shalt  }
0x67: {  	_ =	shalt  }
0x68: {  	_ =	shalt  }
0x69: {  	_ =	shalt  }
0x6a: {  	_ =	shalt  }
0x6b: {  	_ =	shalt  }
0x6c: {  	_ =	shalt  }
0x6d: {  	_ =	shalt  }
0x6e: {  	_ =	shalt  }
0x6f: {  	_ =	shalt  }
0x70: {  	_ =	shalt  }
0x71: {  	_ =	shalt  }
0x72: {  	_ =	shalt  }
0x73: {  	_ =	shalt  }
0x74: {  	_ =	shalt  }
0x75: {  	_ =	shalt  }
0x76: {  	_ =	shalt  }
0x77: {  	_ =	shalt  }
0x78: {  	_ =	shalt  }
0x79: {  	_ =	shalt  }
0x7a: {  	_ =	shalt  }
0x7b: {  	_ =	shalt  }
0x7c: {  	_ =	shalt  }
0x7d: {  	_ =	shalt  }
0x7e: {  	_ =	shalt  }
0x7f: {  	_ =	shalt  }
0x80: {  	_ =	shalt  }
0x81: {  	_ =	shalt  }
0x82: {  	_ =	shalt  }
0x83: {  	_ =	shalt  }
0x84: {  	_ =	shalt  }
0x85: {  	_ =	shalt  }
0x86: {  	_ =	shalt  }
0x87: {  	_ =	shalt  }
.Lfunc_end0:
.L_simem_size_0:
called_computation_lowered:
.L_overlay_start_0:
0x88: {  	s2 =	sld [smem:$0x3FD9]  }
0x89: {  	s3 =	sld [smem:$0x3FFE];
	_ =	sdelay $0x1  }
0x8a: {  	s1 =	srdreg.scid  }
0x8b: {  	s0 =	sand.u32 $0x1, s1  }
0x8c: {  	s16 =	sshll.u32 s0, $0xA;
	s2 =	sadd.s32 s3, s2  }
0x8d: {  	s2 =	sadd.s32 s2, s16  }
0x8e: {  	[smem:$0x3FC7] =	sst s2  }
0x8f: {  	_ = 	snop  }
0x90: {  	(tm) =	ssettm $0x1  }
0x91: {  	s17 =	sld [smem:$0x3FFB];
	_ =	sdelay $0x3  }
0x92: {  	_ =	strace s17  }
0x93: {  	s2 =	sld [smem:$0x3FFC];
	_ =	sdelay $0x3  }
0x94: {  	_ =	strace s2  }
0x95: {  	s2 =	sld [smem:$0x3FFD];
	_ =	sdelay $0x3  }
0x96: {  	_ =	strace s2  }
0x97: {  	_ =	strace $0x8FFFFFFF  }
0x98: {  	s18 =	sld [smem:$0x3FDB];
	_ =	sdelay $0x1  }
0x99: {  	s19 =	simm.s32 $_scs_section_size  }
0x9a: {  	s4 =	simm.s32 $_size__tile_overlayer_lowered;
	s5 =	simm.s32 $_tile_overlayer_lowered  }
0x9b: {  	s22 =	simm.s32 $0x1BFF;
	s21 =	sshll.u32 s5, $0x1;
	s2 =	sadd.s32 s19, s18  }
0x9c: {  	s6 =	simm.s32 $0x0;
	s20 =	sshll.u32 s4, $0x1;
	s4 =	sadd.s32 s21, s2  }
0x9d: {  	[timem:s6], [sflag:s22] =	dma.local [hbm:s4], s20  }
0x9e: {  	_ =	swait.ge [sflag:s22], s20  }
0x9f: {  	s3 =	ssub.s32 $0x0, s20;
	[sflag:s22] =	ssyncset.done $0x0  }
0xa0: {  	[sflag:s22] =	ssyncadd.s32 s3;
	_ =	sdelay $0x1  }
0xa1: {  	s23 =	simm.s32 $0x1B8B  }
0xa2: {  	_ =	swait.ge [sflag:s23], $0x1  }
0xa3: {  	[sflag:s23] =	ssyncset.done $0x0  }
0xa4: {  	s25 =	simm.s32 $0x1B8E;
	s24 =	sld [smem:$0x3FFE];
	[sflag:s23] =	ssyncadd.s32 $0xFFFFFFFF  }
0xa5: {  	s26 =	simm.s32 $execute0_lowered;
	[smem:$0x3FD2] =	sst s25  }
0xa6: {  	s4 =	sshll.u32 s26, $0x1;
	_ =	strace $0x80000046;
	[dreg:$0x1] =	wrdreg $0xFFFFFFFF  }
0xa7: {  	s28 =	simm.s32 $_size_execute0_lowered;
	s2 =	sadd.s32 s2, s4;
	[dreg:$0x0] =	wrdreg $0x0  }
0xa8: {  	s4 =	sshll.u32 s28, $0x1;
	[dreg:$0x2] =	wrdreg s2  }
0xa9: {  	[dreg:$0x3] =	wrdreg s4  }
0xaa: {  	[dreg:$0x4] =	wrdreg $0xC0  }
0xab: {  	_ =	task [dreg:s6], $0x5FFFF  }
0xac: {  	[dreg:$0x1] =	wrdreg $0xFFFFFFFF  }
0xad: {  	[dreg:$0x0] =	wrdreg $0x60  }
0xae: {  	[dreg:$0x2] =	wrdreg s24  }
0xaf: {  	[dreg:$0x3] =	wrdreg $0x9  }
0xb0: {  	_ =	task.clear_ibuf [dreg:s6], $0x4FFFF;
	_ =	strace $0x90000046  }
0xb1: {  	s29 =	simm.s32 $0x9;
	_ =	strace $0x80000048  }
0xb2: {  	_ =	swait.ge [sflag:s29], $0x1  }
0xb3: {  	[sflag:s29] =	ssyncadd.s32 $0xFFFFFFFF  }
0xb4: {  	_ =	strace $0x90000048  }
0xb5: {  	_ =	sfence  }
0xb6: {  	s30 =	sld [smem:$0x0];
	_ =	sdelay $0x2  }
0xb7: {  	s31 =	sshll.u32 s1, $0xD;
	s1 =	sshrl.u32 s1, $0x2  }
0xb8: {  	s3 =	sand.u32 $0x4000, s31;
	s1 =	sadd.s32 s1, s30  }
0xb9: {  	s0 =	sor.u32 s3, s0;
	s1 =	sshll.u32 s1, $0x11  }
0xba: {  	s0 =	sor.u32 s1, s0  }
0xbb: {  	s0 =	sadd.s32 $0x8F2B, s0  }
0xbc: {  	[sflag:s0] =	ssyncadd.remote.s32 $0x1  }
0xbd: {  	_ =	sfence.sel $0xFFFF  }
0xbe: {  	[dreg:$0x0] =	wrdreg $0xFFFFFFFF;
	(pc) =	sbr.abs _section_cstart, $3  }
0xbf: {  	[dreg:$0x1] =	wrdreg $0xFFFFFFFF  }
0xc0: {  	_ =	task.clear_ibuf [dreg:s6], $0x2FFFF;
	_ =	strace $0x9FFFFFFF  }
0xc1: {  	(tm) =	ssettm $0x7FFFFFFF  }
tec
execute0_lowered:
.L_overlay_start_1:
0x0: {  	(tag) =	ssettag $0x1  }
0x1: {  	s5 =	rddreg [dreg:$0x0]  }
0x2: {  	s2 =	simm.s32 $0x0;
	s3 =	srdreg.scid;
	s1 =	stileid.u32  }
0x3: {  	v0 =	vlaneseq.u32;
	s9 =	simm.s32 $0x400;
	s10 =	simm.s32 $0x8000;
	s11 =	simm.s32 $0x1  }
0x4: {  	s12 =	simm.s32 $0x10000;
	s13 =	simm.s32 $0x2;
	s14 =	simm.s32 $0x4;
	v0 =	vmul.u32 $0x2, v0  }
0x5: {  	s15 =	simm.s32 $0x12000;
	s16 =	simm.s32 $0x3;
	s17 =	simm.s32 $0x0  }
0x6: {  	[smem:$0x7FF] =	sst s2;
	s3 =	sand.u32 $0x1, s3;
	s4 =	sshll.u32 s1, $0x5;
	v1 =	vor.u32 $0x1, v0  }
0x7: {  	_ =	strace $0x80000047;
	s6 =	ssub.s32 $0x2, s3;
	s7 =	sshll.u32 s3, $0x4;
	v3 =	vor.u32 $0x41, v0  }
0x8: {  	s3 =	sadd.s32 $0x600, s5;
	s8 =	sshrl.u32 s6, $0x1;
	s4 =	sor.u32 s7, s4  }
0x9: {  	s5 =	sadd.s32 $0x200600, s5;
	s30 =	ssub.s32 s6, s8;
	s31 =	sshll.u32 s4, $0xC  }
0xa: {  	v2 =	vor.u32 $0x40, v0;
	s8 =	simm.s32 $0x80;
	s6 =	sadd.s32 s3, s31;
	s7 =	smax.u32 s30, $0x1  }
.LBB2_1:
0xb: {  	[tilespmem:s2], [sflag:$0x1] =	stream.strided.gather [hbm4b:s6+s8], $0x8000, s9, s8, $0x38;
	[tilespmem:$0x14000] =	vst v63  }
0xc: {  	s18 =	simm.s32 $0x0  }
.LBB2_2:
0xd: {  	s19 =	sshll.u32 s18, $0x1  }
0xe: {  	s21 =	sshll.u32 s18, $0x5;
	s20 =	sor.u32 s4, s19  }
0xf: {  	s21 =	sand.u32 $0x60, s21;
	s22 =	sshll.u32 s20, $0xC  }
0x10: {  	s23 =	sadd.s32 s21, s3;
	s22 =	sand.u32 $0x1F8000, s22  }
0x11: {  	s22 =	sadd.s32 s22, s23  }
0x12: {  	s22 =	sadd.s32 $0x10, s22  }
0x13: {  	[tilespmem:s10], [sflag:$0x2] =	stream.strided.gather [hbm4b:s22+s8], $0x8000, s9, s8, $0x38;
	[tilespmem:$0x14000] =	vst v63  }
0x14: {  	_ =	swait.ge [sflag:s11], $0x8000  }
0x15: {  	p0 =	seq.s32 s18, $0x0;
	[sflag:s11] =	ssyncset.done $0x0  }
0x16: {  	s22 =	simm.s32 @!p0 $0x3;
	[sflag:s11] =	ssyncadd.s32 $0xFFFF8000  }
0x17: {  	_ =	swait.ge @!p0 [sflag:s22], $0x2000  }
0x18: {  	[sflag:s22] =	ssyncset.done @!p0 $0x0  }
0x19: {  	[sflag:s22] =	ssyncadd.s32 @!p0 $0xFFFFE000;
	s22 =	simm.s32 $0x3A0  }
0x1a: {  	v4 =	vld.idx.msk [tilespmem:v0+s22+$0xFFFFFC60], $0xffff  }
0x1b: {  	v5 =	vld.idx.msk [tilespmem:v3+s22+$0xFFFFFC60], $0xffff  }
0x1c: {  	v6 =	vld.idx.msk [tilespmem:v2+s22+$0xFFFFFC60], $0xffff  }
0x1d: {  	v7 =	vld.idx.msk [tilespmem:v1+s22+$0xFFFFFC60], $0xffff;
	_ =	sdelay $0x4  }
0x1e: {  	v5 =	vadd.f32 v5, v6;
	v4 =	vadd.f32 v7, v4;
	_ =	sdelay $0x1  }
0x1f: {  	v4 =	vadd.f32 v5, v4;
	_ =	sdelay $0x1  }
0x20: {  	v4 =	vmul.f32 $2.500000000e-01, v4  }
0x21: {  	s23 =	simm.s32 $0x10080  }
0x22: {  	[tilespmem:s23+$0xFFFFFF80] =	vst v4  }
0x23: {  	v4 =	vld.idx.msk [tilespmem:v3+s22+$0xFFFFFC80], $0xffff  }
0x24: {  	v5 =	vld.idx.msk [tilespmem:v0+s22+$0xFFFFFC80], $0xffff  }
0x25: {  	v6 =	vld.idx.msk [tilespmem:v2+s22+$0xFFFFFC80], $0xffff  }
0x26: {  	v7 =	vld.idx.msk [tilespmem:v1+s22+$0xFFFFFC80], $0xffff;
	_ =	sdelay $0x4  }
0x27: {  	v4 =	vadd.f32 v4, v6;
	v5 =	vadd.f32 v7, v5;
	_ =	sdelay $0x1  }
0x28: {  	v4 =	vadd.f32 v4, v5;
	_ =	sdelay $0x1  }
0x29: {  	v4 =	vmul.f32 $2.500000000e-01, v4;
	_ =	sdelay $0x1  }
0x2a: {  	[tilespmem:s23+$0xFFFFFF90] =	vst v4  }
0x2b: {  	v4 =	vld.idx.msk [tilespmem:v2+s22+$0xFFFFFCE0], $0xffff  }
0x2c: {  	v5 =	vld.idx.msk [tilespmem:v1+s22+$0xFFFFFCE0], $0xffff  }
0x2d: {  	v6 =	vld.idx.msk [tilespmem:v0+s22+$0xFFFFFCE0], $0xffff  }
0x2e: {  	v7 =	vld.idx.msk [tilespmem:v3+s22+$0xFFFFFCE0], $0xffff;
	_ =	sdelay $0x4  }
0x2f: {  	v5 =	vadd.f32 v5, v6;
	v4 =	vadd.f32 v7, v4;
	_ =	sdelay $0x1  }
0x30: {  	v4 =	vadd.f32 v4, v5;
	_ =	sdelay $0x1  }
0x31: {  	v4 =	vmul.f32 $2.500000000e-01, v4;
	_ =	sdelay $0x1  }
0x32: {  	[tilespmem:s23+$0xFFFFFFA0] =	vst v4  }
0x33: {  	v4 =	vld.idx.msk [tilespmem:v3+s22+$0xFFFFFD00], $0xffff  }
0x34: {  	v5 =	vld.idx.msk [tilespmem:v1+s22+$0xFFFFFD00], $0xffff  }
0x35: {  	v6 =	vld.idx.msk [tilespmem:v0+s22+$0xFFFFFD00], $0xffff  }
0x36: {  	v7 =	vld.idx.msk [tilespmem:v2+s22+$0xFFFFFD00], $0xffff;
	_ =	sdelay $0x4  }
0x37: {  	v5 =	vadd.f32 v5, v6;
	v4 =	vadd.f32 v4, v7;
	_ =	sdelay $0x1  }
0x38: {  	v4 =	vadd.f32 v4, v5;
	_ =	sdelay $0x1  }
0x39: {  	s24 =	simm.s32 $0x20;
	v4 =	vmul.f32 $2.500000000e-01, v4  }
0x3a: {  	s24 =	sor.u32 $0x30, s24  }
0x3b: {  	[tilespmem:s24+$0x10000] =	vst v4  }
0x3c: {  	v4 =	vld.idx.msk [tilespmem:v1+s22+$0xFFFFFD60], $0xffff  }
0x3d: {  	v5 =	vld.idx.msk [tilespmem:v3+s22+$0xFFFFFD60], $0xffff  }
0x3e: {  	v6 =	vld.idx.msk [tilespmem:v0+s22+$0xFFFFFD60], $0xffff  }
0x3f: {  	v7 =	vld.idx.msk [tilespmem:v2+s22+$0xFFFFFD60], $0xffff;
	_ =	sdelay $0x4  }
0x40: {  	v4 =	vadd.f32 v4, v6;
	v5 =	vadd.f32 v5, v7;
	_ =	sdelay $0x1  }
0x41: {  	v4 =	vadd.f32 v5, v4;
	_ =	sdelay $0x1  }
0x42: {  	v4 =	vmul.f32 $2.500000000e-01, v4;
	_ =	sdelay $0x1  }
0x43: {  	[tilespmem:s23+$0xFFFFFFC0] =	vst v4  }
0x44: {  	v4 =	vld.idx.msk [tilespmem:v1+s22+$0xFFFFFD80], $0xffff  }
0x45: {  	v5 =	vld.idx.msk [tilespmem:v3+s22+$0xFFFFFD80], $0xffff  }
0x46: {  	v6 =	vld.idx.msk [tilespmem:v2+s22+$0xFFFFFD80], $0xffff  }
0x47: {  	v7 =	vld.idx.msk [tilespmem:v0+s22+$0xFFFFFD80], $0xffff;
	_ =	sdelay $0x4  }
0x48: {  	v5 =	vadd.f32 v5, v6;
	v4 =	vadd.f32 v4, v7;
	_ =	sdelay $0x1  }
0x49: {  	v4 =	vadd.f32 v5, v4;
	_ =	sdelay $0x1  }
0x4a: {  	s25 =	simm.s32 $0x40;
	v4 =	vmul.f32 $2.500000000e-01, v4  }
0x4b: {  	s24 =	sor.u32 $0x50, s25  }
0x4c: {  	[tilespmem:s24+$0x10000] =	vst v4  }
0x4d: {  	v4 =	vld.idx.msk [tilespmem:v0+s22+$0xFFFFFDE0], $0xffff  }
0x4e: {  	v5 =	vld.idx.msk [tilespmem:v2+s22+$0xFFFFFDE0], $0xffff  }
0x4f: {  	v6 =	vld.idx.msk [tilespmem:v1+s22+$0xFFFFFDE0], $0xffff  }
0x50: {  	v7 =	vld.idx.msk [tilespmem:v3+s22+$0xFFFFFDE0], $0xffff;
	_ =	sdelay $0x4  }
0x51: {  	v4 =	vadd.f32 v6, v4;
	v5 =	vadd.f32 v7, v5;
	_ =	sdelay $0x1  }
0x52: {  	v4 =	vadd.f32 v5, v4;
	_ =	sdelay $0x1  }
0x53: {  	v4 =	vmul.f32 $2.500000000e-01, v4;
	_ =	sdelay $0x1  }
0x54: {  	[tilespmem:s23+$0xFFFFFFE0] =	vst v4  }
0x55: {  	v4 =	vld.idx.msk [tilespmem:v3+s22+$0xFFFFFE00], $0xffff  }
0x56: {  	v5 =	vld.idx.msk [tilespmem:v1+s22+$0xFFFFFE00], $0xffff  }
0x57: {  	v6 =	vld.idx.msk [tilespmem:v0+s22+$0xFFFFFE00], $0xffff  }
0x58: {  	v7 =	vld.idx.msk [tilespmem:v2+s22+$0xFFFFFE00], $0xffff;
	_ =	sdelay $0x4  }
0x59: {  	v5 =	vadd.f32 v5, v6;
	v4 =	vadd.f32 v4, v7;
	_ =	sdelay $0x1  }
0x5a: {  	v4 =	vadd.f32 v4, v5;
	_ =	sdelay $0x1  }
0x5b: {  	s26 =	simm.s32 $0x60;
	v4 =	vmul.f32 $2.500000000e-01, v4  }
0x5c: {  	s24 =	sor.u32 $0x70, s26  }
0x5d: {  	[tilespmem:s24+$0x10000] =	vst v4  }
0x5e: {  	v4 =	vld.idx.msk [tilespmem:v1+s22+$0xFFFFFE60], $0xffff  }
0x5f: {  	v5 =	vld.idx.msk [tilespmem:v3+s22+$0xFFFFFE60], $0xffff  }
0x60: {  	v6 =	vld.idx.msk [tilespmem:v0+s22+$0xFFFFFE60], $0xffff  }
0x61: {  	v7 =	vld.idx.msk [tilespmem:v2+s22+$0xFFFFFE60], $0xffff;
	_ =	sdelay $0x4  }
0x62: {  	v4 =	vadd.f32 v4, v6;
	v5 =	vadd.f32 v5, v7;
	_ =	sdelay $0x1  }
0x63: {  	v4 =	vadd.f32 v5, v4;
	_ =	sdelay $0x1  }
0x64: {  	v4 =	vmul.f32 $2.500000000e-01, v4;
	_ =	sdelay $0x1  }
0x65: {  	[tilespmem:s23+$0x0] =	vst v4  }
0x66: {  	v4 =	vld.idx.msk [tilespmem:v1+s22+$0xFFFFFE80], $0xffff  }
0x67: {  	v5 =	vld.idx.msk [tilespmem:v3+s22+$0xFFFFFE80], $0xffff  }
0x68: {  	v6 =	vld.idx.msk [tilespmem:v0+s22+$0xFFFFFE80], $0xffff  }
0x69: {  	v7 =	vld.idx.msk [tilespmem:v2+s22+$0xFFFFFE80], $0xffff;
	_ =	sdelay $0x4  }
0x6a: {  	v4 =	vadd.f32 v4, v6;
	v5 =	vadd.f32 v5, v7;
	_ =	sdelay $0x1  }
0x6b: {  	v4 =	vadd.f32 v5, v4;
	_ =	sdelay $0x1  }
0x6c: {  	v4 =	vmul.f32 $2.500000000e-01, v4;
	_ =	sdelay $0x1  }
0x6d: {  	[tilespmem:s23+$0x10] =	vst v4  }
0x6e: {  	v4 =	vld.idx.msk [tilespmem:v1+s22+$0xFFFFFEE0], $0xffff  }
0x6f: {  	v5 =	vld.idx.msk [tilespmem:v3+s22+$0xFFFFFEE0], $0xffff  }
0x70: {  	v6 =	vld.idx.msk [tilespmem:v0+s22+$0xFFFFFEE0], $0xffff  }
0x71: {  	v7 =	vld.idx.msk [tilespmem:v2+s22+$0xFFFFFEE0], $0xffff;
	_ =	sdelay $0x4  }
0x72: {  	v4 =	vadd.f32 v4, v6;
	v5 =	vadd.f32 v5, v7;
	_ =	sdelay $0x1  }
0x73: {  	v4 =	vadd.f32 v5, v4;
	_ =	sdelay $0x1  }
0x74: {  	v4 =	vmul.f32 $2.500000000e-01, v4;
	_ =	sdelay $0x1  }
0x75: {  	[tilespmem:s23+$0x20] =	vst v4  }
0x76: {  	v4 =	vld.idx.msk [tilespmem:v1+s22+$0xFFFFFF00], $0xffff  }
0x77: {  	v5 =	vld.idx.msk [tilespmem:v3+s22+$0xFFFFFF00], $0xffff  }
0x78: {  	v6 =	vld.idx.msk [tilespmem:v0+s22+$0xFFFFFF00], $0xffff  }
0x79: {  	v7 =	vld.idx.msk [tilespmem:v2+s22+$0xFFFFFF00], $0xffff;
	_ =	sdelay $0x4  }
0x7a: {  	v4 =	vadd.f32 v4, v6;
	v5 =	vadd.f32 v5, v7;
	_ =	sdelay $0x1  }
0x7b: {  	v4 =	vadd.f32 v5, v4;
	_ =	sdelay $0x1  }
0x7c: {  	s31 =	simm.s32 $0xA0;
	v4 =	vmul.f32 $2.500000000e-01, v4  }
0x7d: {  	s24 =	sor.u32 $0x30, s31  }
0x7e: {  	[tilespmem:s24+$0x10000] =	vst v4  }
0x7f: {  	v4 =	vld.idx.msk [tilespmem:v1+s22+$0xFFFFFF60], $0xffff  }
0x80: {  	v5 =	vld.idx.msk [tilespmem:v3+s22+$0xFFFFFF60], $0xffff  }
0x81: {  	v6 =	vld.idx.msk [tilespmem:v0+s22+$0xFFFFFF60], $0xffff  }
0x82: {  	v7 =	vld.idx.msk [tilespmem:v2+s22+$0xFFFFFF60], $0xffff;
	_ =	sdelay $0x4  }
0x83: {  	v4 =	vadd.f32 v4, v6;
	v5 =	vadd.f32 v5, v7;
	_ =	sdelay $0x1  }
0x84: {  	v4 =	vadd.f32 v5, v4;
	_ =	sdelay $0x1  }
0x85: {  	v4 =	vmul.f32 $2.500000000e-01, v4;
	_ =	sdelay $0x1  }
0x86: {  	[tilespmem:s23+$0x40] =	vst v4  }
0x87: {  	s28 =	simm.s32 $0x0;
	s29 =	simm.s32 $0x10180;
	s30 =	simm.s32 $0x3A0;
	v4 =	vld.idx.msk [tilespmem:v0+s22+$0xFFFFFF80], $0xffff  }
0x88: {  	s25 =	simm.s32 $0xC0;
	s26 =	simm.s32 $0xE0;
	s24 =	simm.s32 $0xE0;
	v5 =	vld.idx.msk [tilespmem:v2+s22+$0xFFFFFF80], $0xffff  }
.LBB2_3:
0x89: {  	s28 =	sadd.s32 $0x8, s28;
	v6 =	vld.idx.msk [tilespmem:v1+s22+$0xFFFFFF80], $0xffff;
	s30 =	sadd.s32 $0x400, s30;
	s26 =	sadd.s32 $0x100, s26  }
0x8a: {  	s31 =	sadd.s32 $0xFFFFFFE0, s26;
	p1 =	slt.u32 s28, $0xF8;
	v7 =	vld.idx.msk [tilespmem:v3+s22+$0xFFFFFF80], $0xffff;
	_ =	sdelay $0x4  }
0x8b: {  	v4 =	vadd.f32 v6, v4  }
0x8c: {  	v5 =	vadd.f32 v7, v5;
	_ =	sdelay $0x1  }
0x8d: {  	v4 =	vadd.f32 v5, v4;
	_ =	sdelay $0x1  }
0x8e: {  	v4 =	vmul.f32 $2.500000000e-01, v4  }
0x8f: {  	s0 =	sor.u32 $0x50, s25;
	s25 =	smov.u32 s31  }
0x90: {  	[tilespmem:s0+$0x10000] =	vst v4  }
0x91: {  	v4 =	vld.idx.msk [tilespmem:v0+s22+$0xFFFFFFE0], $0xffff  }
0x92: {  	v5 =	vld.idx.msk [tilespmem:v1+s22+$0xFFFFFFE0], $0xffff  }
0x93: {  	v6 =	vld.idx.msk [tilespmem:v3+s22+$0xFFFFFFE0], $0xffff  }
0x94: {  	v7 =	vld.idx.msk [tilespmem:v2+s22+$0xFFFFFFE0], $0xffff;
	_ =	sdelay $0x3  }
0x95: {  	v4 =	vadd.f32 v5, v4;
	_ =	sdelay $0x1  }
0x96: {  	v5 =	vadd.f32 v6, v7;
	_ =	sdelay $0x1  }
0x97: {  	v4 =	vadd.f32 v5, v4;
	_ =	sdelay $0x1  }
0x98: {  	v4 =	vmul.f32 $2.500000000e-01, v4;
	_ =	sdelay $0x1  }
0x99: {  	[tilespmem:s23+$0x60] =	vst v4;
	s23 =	smov.u32 s29  }
0x9a: {  	v4 =	vld.idx.msk [tilespmem:v0+s22+$0x0], $0xffff  }
0x9b: {  	v5 =	vld.idx.msk [tilespmem:v3+s22+$0x0], $0xffff  }
0x9c: {  	v6 =	vld.idx.msk [tilespmem:v1+s22+$0x0], $0xffff  }
0x9d: {  	v7 =	vld.idx.msk [tilespmem:v2+s22+$0x0], $0xffff;
	s22 =	smov.u32 s30;
	_ =	sdelay $0x4  }
0x9e: {  	v4 =	vadd.f32 v6, v4  }
0x9f: {  	v5 =	vadd.f32 v5, v7;
	_ =	sdelay $0x1  }
0xa0: {  	v4 =	vadd.f32 v5, v4;
	_ =	sdelay $0x1  }
0xa1: {  	s0 =	sor.u32 $0x70, s24;
	s24 =	smov.u32 s26;
	v4 =	vmul.f32 $2.500000000e-01, v4;
	_ =	sdelay $0x1  }
0xa2: {  	[tilespmem:s0+$0x10000] =	vst v4  }
0xa3: {  	v4 =	vld.idx.msk [tilespmem:v0+s30+$0xFFFFFC60], $0xffff  }
0xa4: {  	v5 =	vld.idx.msk [tilespmem:v3+s30+$0xFFFFFC60], $0xffff  }
0xa5: {  	v6 =	vld.idx.msk [tilespmem:v2+s30+$0xFFFFFC60], $0xffff  }
0xa6: {  	v7 =	vld.idx.msk [tilespmem:v1+s30+$0xFFFFFC60], $0xffff;
	_ =	sdelay $0x4  }
0xa7: {  	v5 =	vadd.f32 v5, v6  }
0xa8: {  	v4 =	vadd.f32 v7, v4;
	_ =	sdelay $0x1  }
0xa9: {  	v4 =	vadd.f32 v5, v4;
	_ =	sdelay $0x1  }
0xaa: {  	v4 =	vmul.f32 $2.500000000e-01, v4;
	_ =	sdelay $0x1  }
0xab: {  	[tilespmem:s29+$0xFFFFFF80] =	vst v4  }
0xac: {  	v4 =	vld.idx.msk [tilespmem:v3+s30+$0xFFFFFC80], $0xffff  }
0xad: {  	v5 =	vld.idx.msk [tilespmem:v0+s30+$0xFFFFFC80], $0xffff  }
0xae: {  	v6 =	vld.idx.msk [tilespmem:v2+s30+$0xFFFFFC80], $0xffff  }
0xaf: {  	v7 =	vld.idx.msk [tilespmem:v1+s30+$0xFFFFFC80], $0xffff;
	_ =	sdelay $0x4  }
0xb0: {  	v4 =	vadd.f32 v4, v6  }
0xb1: {  	v5 =	vadd.f32 v7, v5;
	_ =	sdelay $0x1  }
0xb2: {  	v4 =	vadd.f32 v4, v5;
	_ =	sdelay $0x1  }
0xb3: {  	v4 =	vmul.f32 $2.500000000e-01, v4;
	_ =	sdelay $0x1  }
0xb4: {  	[tilespmem:s29+$0xFFFFFF90] =	vst v4  }
0xb5: {  	v4 =	vld.idx.msk [tilespmem:v2+s30+$0xFFFFFCE0], $0xffff  }
0xb6: {  	v5 =	vld.idx.msk [tilespmem:v1+s30+$0xFFFFFCE0], $0xffff  }
0xb7: {  	v6 =	vld.idx.msk [tilespmem:v0+s30+$0xFFFFFCE0], $0xffff  }
0xb8: {  	v7 =	vld.idx.msk [tilespmem:v3+s30+$0xFFFFFCE0], $0xffff;
	_ =	sdelay $0x4  }
0xb9: {  	v5 =	vadd.f32 v5, v6  }
0xba: {  	v4 =	vadd.f32 v7, v4;
	_ =	sdelay $0x1  }
0xbb: {  	v4 =	vadd.f32 v4, v5;
	_ =	sdelay $0x1  }
0xbc: {  	v4 =	vmul.f32 $2.500000000e-01, v4;
	_ =	sdelay $0x1  }
0xbd: {  	[tilespmem:s29+$0xFFFFFFA0] =	vst v4  }
0xbe: {  	v4 =	vld.idx.msk [tilespmem:v3+s30+$0xFFFFFD00], $0xffff  }
0xbf: {  	v5 =	vld.idx.msk [tilespmem:v1+s30+$0xFFFFFD00], $0xffff  }
0xc0: {  	v6 =	vld.idx.msk [tilespmem:v0+s30+$0xFFFFFD00], $0xffff  }
0xc1: {  	v7 =	vld.idx.msk [tilespmem:v2+s30+$0xFFFFFD00], $0xffff;
	_ =	sdelay $0x4  }
0xc2: {  	v5 =	vadd.f32 v5, v6  }
0xc3: {  	v4 =	vadd.f32 v4, v7;
	_ =	sdelay $0x1  }
0xc4: {  	v4 =	vadd.f32 v4, v5;
	_ =	sdelay $0x1  }
0xc5: {  	s0 =	sadd.s32 $0xFFFFFF40, s26;
	v4 =	vmul.f32 $2.500000000e-01, v4  }
0xc6: {  	s0 =	sor.u32 $0x30, s0  }
0xc7: {  	[tilespmem:s0+$0x10000] =	vst v4  }
0xc8: {  	v4 =	vld.idx.msk [tilespmem:v1+s30+$0xFFFFFD60], $0xffff  }
0xc9: {  	v5 =	vld.idx.msk [tilespmem:v3+s30+$0xFFFFFD60], $0xffff  }
0xca: {  	v6 =	vld.idx.msk [tilespmem:v0+s30+$0xFFFFFD60], $0xffff  }
0xcb: {  	v7 =	vld.idx.msk [tilespmem:v2+s30+$0xFFFFFD60], $0xffff;
	_ =	sdelay $0x4  }
0xcc: {  	v4 =	vadd.f32 v4, v6  }
0xcd: {  	v5 =	vadd.f32 v5, v7;
	_ =	sdelay $0x1  }
0xce: {  	v4 =	vadd.f32 v5, v4;
	_ =	sdelay $0x1  }
0xcf: {  	v4 =	vmul.f32 $2.500000000e-01, v4;
	_ =	sdelay $0x1  }
0xd0: {  	[tilespmem:s29+$0xFFFFFFC0] =	vst v4  }
0xd1: {  	v4 =	vld.idx.msk [tilespmem:v1+s30+$0xFFFFFD80], $0xffff  }
0xd2: {  	v5 =	vld.idx.msk [tilespmem:v3+s30+$0xFFFFFD80], $0xffff  }
0xd3: {  	v6 =	vld.idx.msk [tilespmem:v2+s30+$0xFFFFFD80], $0xffff  }
0xd4: {  	v7 =	vld.idx.msk [tilespmem:v0+s30+$0xFFFFFD80], $0xffff;
	_ =	sdelay $0x4  }
0xd5: {  	v5 =	vadd.f32 v5, v6  }
0xd6: {  	v4 =	vadd.f32 v4, v7;
	_ =	sdelay $0x1  }
0xd7: {  	v4 =	vadd.f32 v5, v4;
	_ =	sdelay $0x1  }
0xd8: {  	s0 =	sadd.s32 $0xFFFFFF60, s26;
	v4 =	vmul.f32 $2.500000000e-01, v4  }
0xd9: {  	s0 =	sor.u32 $0x50, s0  }
0xda: {  	[tilespmem:s0+$0x10000] =	vst v4  }
0xdb: {  	v4 =	vld.idx.msk [tilespmem:v0+s30+$0xFFFFFDE0], $0xffff  }
0xdc: {  	v5 =	vld.idx.msk [tilespmem:v2+s30+$0xFFFFFDE0], $0xffff  }
0xdd: {  	v6 =	vld.idx.msk [tilespmem:v1+s30+$0xFFFFFDE0], $0xffff  }
0xde: {  	v7 =	vld.idx.msk [tilespmem:v3+s30+$0xFFFFFDE0], $0xffff;
	_ =	sdelay $0x4  }
0xdf: {  	v4 =	vadd.f32 v6, v4  }
0xe0: {  	v5 =	vadd.f32 v7, v5;
	_ =	sdelay $0x1  }
0xe1: {  	v4 =	vadd.f32 v5, v4;
	_ =	sdelay $0x1  }
0xe2: {  	v4 =	vmul.f32 $2.500000000e-01, v4;
	_ =	sdelay $0x1  }
0xe3: {  	[tilespmem:s29+$0xFFFFFFE0] =	vst v4  }
0xe4: {  	v4 =	vld.idx.msk [tilespmem:v3+s30+$0xFFFFFE00], $0xffff  }
0xe5: {  	v5 =	vld.idx.msk [tilespmem:v1+s30+$0xFFFFFE00], $0xffff  }
0xe6: {  	v6 =	vld.idx.msk [tilespmem:v0+s30+$0xFFFFFE00], $0xffff  }
0xe7: {  	v7 =	vld.idx.msk [tilespmem:v2+s30+$0xFFFFFE00], $0xffff;
	_ =	sdelay $0x4  }
0xe8: {  	v5 =	vadd.f32 v5, v6  }
0xe9: {  	v4 =	vadd.f32 v4, v7;
	_ =	sdelay $0x1  }
0xea: {  	v4 =	vadd.f32 v4, v5;
	_ =	sdelay $0x1  }
0xeb: {  	s0 =	sadd.s32 $0xFFFFFF80, s26;
	v4 =	vmul.f32 $2.500000000e-01, v4  }
0xec: {  	s0 =	sor.u32 $0x70, s0  }
0xed: {  	[tilespmem:s0+$0x10000] =	vst v4  }
0xee: {  	v4 =	vld.idx.msk [tilespmem:v1+s30+$0xFFFFFE60], $0xffff  }
0xef: {  	v5 =	vld.idx.msk [tilespmem:v3+s30+$0xFFFFFE60], $0xffff  }
0xf0: {  	v6 =	vld.idx.msk [tilespmem:v0+s30+$0xFFFFFE60], $0xffff  }
0xf1: {  	v7 =	vld.idx.msk [tilespmem:v2+s30+$0xFFFFFE60], $0xffff;
	_ =	sdelay $0x4  }
0xf2: {  	v4 =	vadd.f32 v4, v6  }
0xf3: {  	v5 =	vadd.f32 v5, v7;
	_ =	sdelay $0x1  }
0xf4: {  	v4 =	vadd.f32 v5, v4;
	_ =	sdelay $0x1  }
0xf5: {  	v4 =	vmul.f32 $2.500000000e-01, v4;
	_ =	sdelay $0x1  }
0xf6: {  	[tilespmem:s29+$0x0] =	vst v4  }
0xf7: {  	v4 =	vld.idx.msk [tilespmem:v1+s30+$0xFFFFFE80], $0xffff  }
0xf8: {  	v5 =	vld.idx.msk [tilespmem:v3+s30+$0xFFFFFE80], $0xffff  }
0xf9: {  	v6 =	vld.idx.msk [tilespmem:v0+s30+$0xFFFFFE80], $0xffff  }
0xfa: {  	v7 =	vld.idx.msk [tilespmem:v2+s30+$0xFFFFFE80], $0xffff;
	_ =	sdelay $0x4  }
0xfb: {  	v4 =	vadd.f32 v4, v6  }
0xfc: {  	v5 =	vadd.f32 v5, v7;
	_ =	sdelay $0x1  }
0xfd: {  	v4 =	vadd.f32 v5, v4;
	_ =	sdelay $0x1  }
0xfe: {  	v4 =	vmul.f32 $2.500000000e-01, v4;
	_ =	sdelay $0x1  }
0xff: {  	[tilespmem:s29+$0x10] =	vst v4  }
0x100: {  	v4 =	vld.idx.msk [tilespmem:v1+s30+$0xFFFFFEE0], $0xffff  }
0x101: {  	v5 =	vld.idx.msk [tilespmem:v3+s30+$0xFFFFFEE0], $0xffff  }
0x102: {  	v6 =	vld.idx.msk [tilespmem:v0+s30+$0xFFFFFEE0], $0xffff  }
0x103: {  	v7 =	vld.idx.msk [tilespmem:v2+s30+$0xFFFFFEE0], $0xffff;
	_ =	sdelay $0x4  }
0x104: {  	v4 =	vadd.f32 v4, v6  }
0x105: {  	v5 =	vadd.f32 v5, v7;
	_ =	sdelay $0x1  }
0x106: {  	v4 =	vadd.f32 v5, v4;
	_ =	sdelay $0x1  }
0x107: {  	v4 =	vmul.f32 $2.500000000e-01, v4;
	_ =	sdelay $0x1  }
0x108: {  	[tilespmem:s29+$0x20] =	vst v4  }
0x109: {  	v4 =	vld.idx.msk [tilespmem:v1+s30+$0xFFFFFF00], $0xffff  }
0x10a: {  	v5 =	vld.idx.msk [tilespmem:v3+s30+$0xFFFFFF00], $0xffff  }
0x10b: {  	v6 =	vld.idx.msk [tilespmem:v0+s30+$0xFFFFFF00], $0xffff  }
0x10c: {  	v7 =	vld.idx.msk [tilespmem:v2+s30+$0xFFFFFF00], $0xffff;
	_ =	sdelay $0x4  }
0x10d: {  	v4 =	vadd.f32 v4, v6  }
0x10e: {  	v5 =	vadd.f32 v5, v7;
	_ =	sdelay $0x1  }
0x10f: {  	v4 =	vadd.f32 v5, v4;
	_ =	sdelay $0x1  }
0x110: {  	s0 =	sadd.s32 $0xFFFFFFC0, s26;
	v4 =	vmul.f32 $2.500000000e-01, v4  }
0x111: {  	s0 =	sor.u32 $0x30, s0  }
0x112: {  	[tilespmem:s0+$0x10000] =	vst v4  }
0x113: {  	v4 =	vld.idx.msk [tilespmem:v1+s30+$0xFFFFFF60], $0xffff  }
0x114: {  	v5 =	vld.idx.msk [tilespmem:v3+s30+$0xFFFFFF60], $0xffff  }
0x115: {  	v6 =	vld.idx.msk [tilespmem:v0+s30+$0xFFFFFF60], $0xffff  }
0x116: {  	v7 =	vld.idx.msk [tilespmem:v2+s30+$0xFFFFFF60], $0xffff;
	_ =	sdelay $0x4  }
0x117: {  	v4 =	vadd.f32 v4, v6  }
0x118: {  	v5 =	vadd.f32 v5, v7;
	_ =	sdelay $0x1  }
0x119: {  	v4 =	vadd.f32 v5, v4;
	_ =	sdelay $0x1  }
.Ltmp0:
0x11a: {  	v4 =	vmul.f32 $2.500000000e-01, v4;
	(pc) =	sbr.rel @p1 .LBB2_3-.Ltmp0, $4  }
0x11b: {  	_ = 	snop  }
0x11c: {  	[tilespmem:s29+$0x40] =	vst v4  }
0x11d: {  	v4 =	vld.idx.msk [tilespmem:v0+s30+$0xFFFFFF80], $0xffff  }
0x11e: {  	s29 =	sadd.s32 $0x100, s29;
	v5 =	vld.idx.msk [tilespmem:v2+s30+$0xFFFFFF80], $0xffff  }
0x11f: {  	_ =	sdelay $0x3  }
0x120: {  	v6 =	vld.idx.msk [tilespmem:v1+s22+$0xFFFFFF80], $0xffff  }
0x121: {  	v7 =	vld.idx.msk [tilespmem:v3+s22+$0xFFFFFF80], $0xffff;
	_ =	sdelay $0x4  }
0x122: {  	v4 =	vadd.f32 v6, v4;
	v5 =	vadd.f32 v7, v5;
	_ =	sdelay $0x1  }
0x123: {  	v4 =	vadd.f32 v5, v4;
	_ =	sdelay $0x1  }
0x124: {  	v4 =	vmul.f32 $2.500000000e-01, v4  }
0x125: {  	s0 =	sor.u32 $0x50, s25  }
0x126: {  	[tilespmem:s0+$0x10000] =	vst v4  }
0x127: {  	v4 =	vld.idx.msk [tilespmem:v0+s22+$0xFFFFFFE0], $0xffff  }
0x128: {  	v5 =	vld.idx.msk [tilespmem:v1+s22+$0xFFFFFFE0], $0xffff  }
0x129: {  	v60 =	vld.idx.msk [tilespmem:v3+s22+$0xFFFFFFE0], $0xffff  }
0x12a: {  	v61 =	vld.idx.msk [tilespmem:v2+s22+$0xFFFFFFE0], $0xffff;
	_ =	sdelay $0x4  }
0x12b: {  	v4 =	vadd.f32 v5, v4;
	v5 =	vadd.f32 v60, v61;
	_ =	sdelay $0x1  }
0x12c: {  	v4 =	vadd.f32 v5, v4;
	_ =	sdelay $0x1  }
0x12d: {  	v4 =	vmul.f32 $2.500000000e-01, v4;
	_ =	sdelay $0x1  }
0x12e: {  	[tilespmem:s23+$0x60] =	vst v4  }
0x12f: {  	v4 =	vld.idx.msk [tilespmem:v0+s22+$0x0], $0xffff  }
0x130: {  	v5 =	vld.idx.msk [tilespmem:v3+s22+$0x0], $0xffff  }
0x131: {  	v62 =	vld.idx.msk [tilespmem:v1+s22+$0x0], $0xffff  }
0x132: {  	v63 =	vld.idx.msk [tilespmem:v2+s22+$0x0], $0xffff;
	_ =	sdelay $0x4  }
0x133: {  	v4 =	vadd.f32 v62, v4;
	v5 =	vadd.f32 v5, v63;
	_ =	sdelay $0x1  }
0x134: {  	p1 =	sne.s32 s18, $0x7;
	v4 =	vadd.f32 v5, v4  }
.Ltmp1:
0x135: {  	_ = 	snop;
	(pc) =	sbr.rel @p1 .LBB2_6-.Ltmp1, $4  }
0x136: {  	s30 =	sshll.u32 s20, $0xA;
	s31 =	sor.u32 $0x70, s24;
	v4 =	vmul.f32 $2.500000000e-01, v4  }
0x137: {  	s21 =	sadd.s32 s5, s21;
	s19 =	sor.u32 $0x1, s19;
	s0 =	sand.u32 $0x7E000, s30  }
0x138: {  	s20 =	sor.u32 s4, s19;
	s0 =	sadd.s32 s0, s21;
	[tilespmem:s31+$0x10000] =	vst v4  }
0x139: {  	[hbm4b:s0+s8] =	stream.strided.scatter [tilespmem:s12], [sflag:$0x3], $0x2000, s9, s8, $0x38;
	[tilespmem:$0x14000] =	vst v63  }
.Ltmp2:
0x13a: {  	(pc) =	sbr.rel .LBB2_7-.Ltmp2, $4  }
0x13b: {  	_ = 	snop  }
0x13c: {  	_ =	swait.ge [sflag:s13], $0x8000  }
0x13d: {  	[sflag:s13] =	ssyncset.done $0x0  }
0x13e: {  	[sflag:s13] =	ssyncadd.s32 $0xFFFF8000  }
.LBB2_6:
0x13f: {  	s0 =	sadd.s32 $0x1, s20  }
0x140: {  	s21 =	sshll.u32 s0, $0x4  }
0x141: {  	s0 =	sshll.u32 s0, $0xC;
	s21 =	sand.u32 $0x60, s21  }
0x142: {  	s0 =	sand.u32 $0xFFF8000, s0;
	s21 =	sadd.s32 s3, s21  }
.Ltmp3:
0x143: {  	s0 =	sadd.s32 s0, s21;
	(pc) =	sbr.rel @p0 .LBB2_8-.Ltmp3, $4  }
0x144: {  	[tilespmem:s2], [sflag:$0x1] =	stream.strided.gather [hbm4b:s0+s8], $0x8000, s9, s8, $0x38;
	[tilespmem:$0x14000] =	vst v63  }
0x145: {  	_ =	swait.ge [sflag:s13], $0x8000  }
0x146: {  	[sflag:s13] =	ssyncset.done $0x0  }
0x147: {  	[sflag:s13] =	ssyncadd.s32 $0xFFFF8000  }
.LBB2_7:
0x148: {  	_ =	swait.ge [sflag:s14], $0x2000  }
0x149: {  	[sflag:s14] =	ssyncset.done $0x0  }
0x14a: {  	[sflag:s14] =	ssyncadd.s32 $0xFFFFE000  }
.LBB2_8:
0x14b: {  	_ =	sdelay $0x2  }
0x14c: {  	s21 =	simm.s32 $0x83A0  }
0x14d: {  	v4 =	vld.idx.msk [tilespmem:v0+s21+$0xFFFFFC60], $0xffff  }
0x14e: {  	v5 =	vld.idx.msk [tilespmem:v3+s21+$0xFFFFFC60], $0xffff  }
0x14f: {  	v6 =	vld.idx.msk [tilespmem:v2+s21+$0xFFFFFC60], $0xffff  }
0x150: {  	v7 =	vld.idx.msk [tilespmem:v1+s21+$0xFFFFFC60], $0xffff;
	_ =	sdelay $0x4  }
0x151: {  	v5 =	vadd.f32 v5, v6;
	v4 =	vadd.f32 v7, v4;
	_ =	sdelay $0x1  }
0x152: {  	v4 =	vadd.f32 v5, v4;
	_ =	sdelay $0x1  }
0x153: {  	v4 =	vmul.f32 $2.500000000e-01, v4  }
0x154: {  	s22 =	simm.s32 $0x12080  }
0x155: {  	[tilespmem:s22+$0xFFFFFF80] =	vst v4  }
0x156: {  	v4 =	vld.idx.msk [tilespmem:v3+s21+$0xFFFFFC80], $0xffff  }
0x157: {  	v5 =	vld.idx.msk [tilespmem:v0+s21+$0xFFFFFC80], $0xffff  }
0x158: {  	v6 =	vld.idx.msk [tilespmem:v2+s21+$0xFFFFFC80], $0xffff  }
0x159: {  	v7 =	vld.idx.msk [tilespmem:v1+s21+$0xFFFFFC80], $0xffff;
	_ =	sdelay $0x4  }
0x15a: {  	v4 =	vadd.f32 v4, v6;
	v5 =	vadd.f32 v7, v5;
	_ =	sdelay $0x1  }
0x15b: {  	v4 =	vadd.f32 v4, v5;
	_ =	sdelay $0x1  }
0x15c: {  	v4 =	vmul.f32 $2.500000000e-01, v4;
	_ =	sdelay $0x1  }
0x15d: {  	[tilespmem:s22+$0xFFFFFF90] =	vst v4  }
0x15e: {  	v4 =	vld.idx.msk [tilespmem:v2+s21+$0xFFFFFCE0], $0xffff  }
0x15f: {  	v5 =	vld.idx.msk [tilespmem:v1+s21+$0xFFFFFCE0], $0xffff  }
0x160: {  	v6 =	vld.idx.msk [tilespmem:v0+s21+$0xFFFFFCE0], $0xffff  }
0x161: {  	v7 =	vld.idx.msk [tilespmem:v3+s21+$0xFFFFFCE0], $0xffff;
	_ =	sdelay $0x4  }
0x162: {  	v5 =	vadd.f32 v5, v6;
	v4 =	vadd.f32 v7, v4;
	_ =	sdelay $0x1  }
0x163: {  	v4 =	vadd.f32 v4, v5;
	_ =	sdelay $0x1  }
0x164: {  	v4 =	vmul.f32 $2.500000000e-01, v4;
	_ =	sdelay $0x1  }
0x165: {  	[tilespmem:s22+$0xFFFFFFA0] =	vst v4  }
0x166: {  	v4 =	vld.idx.msk [tilespmem:v3+s21+$0xFFFFFD00], $0xffff  }
0x167: {  	v5 =	vld.idx.msk [tilespmem:v1+s21+$0xFFFFFD00], $0xffff  }
0x168: {  	v6 =	vld.idx.msk [tilespmem:v0+s21+$0xFFFFFD00], $0xffff  }
0x169: {  	v7 =	vld.idx.msk [tilespmem:v2+s21+$0xFFFFFD00], $0xffff;
	_ =	sdelay $0x4  }
0x16a: {  	v5 =	vadd.f32 v5, v6;
	v4 =	vadd.f32 v4, v7;
	_ =	sdelay $0x1  }
0x16b: {  	v4 =	vadd.f32 v4, v5;
	_ =	sdelay $0x1  }
0x16c: {  	s0 =	simm.s32 $0x20;
	v4 =	vmul.f32 $2.500000000e-01, v4  }
0x16d: {  	s0 =	sor.u32 $0x30, s0  }
0x16e: {  	[tilespmem:s0+$0x12000] =	vst v4  }
0x16f: {  	v4 =	vld.idx.msk [tilespmem:v1+s21+$0xFFFFFD60], $0xffff  }
0x170: {  	v5 =	vld.idx.msk [tilespmem:v3+s21+$0xFFFFFD60], $0xffff  }
0x171: {  	v6 =	vld.idx.msk [tilespmem:v0+s21+$0xFFFFFD60], $0xffff  }
0x172: {  	v7 =	vld.idx.msk [tilespmem:v2+s21+$0xFFFFFD60], $0xffff;
	_ =	sdelay $0x4  }
0x173: {  	v4 =	vadd.f32 v4, v6;
	v5 =	vadd.f32 v5, v7;
	_ =	sdelay $0x1  }
0x174: {  	v4 =	vadd.f32 v5, v4;
	_ =	sdelay $0x1  }
0x175: {  	v4 =	vmul.f32 $2.500000000e-01, v4;
	_ =	sdelay $0x1  }
0x176: {  	[tilespmem:s22+$0xFFFFFFC0] =	vst v4  }
0x177: {  	v4 =	vld.idx.msk [tilespmem:v1+s21+$0xFFFFFD80], $0xffff  }
0x178: {  	v5 =	vld.idx.msk [tilespmem:v3+s21+$0xFFFFFD80], $0xffff  }
0x179: {  	v6 =	vld.idx.msk [tilespmem:v2+s21+$0xFFFFFD80], $0xffff  }
0x17a: {  	v7 =	vld.idx.msk [tilespmem:v0+s21+$0xFFFFFD80], $0xffff;
	_ =	sdelay $0x4  }
0x17b: {  	v5 =	vadd.f32 v5, v6;
	v4 =	vadd.f32 v4, v7;
	_ =	sdelay $0x1  }
0x17c: {  	v4 =	vadd.f32 v5, v4;
	_ =	sdelay $0x1  }
0x17d: {  	s26 =	simm.s32 $0x40;
	v4 =	vmul.f32 $2.500000000e-01, v4  }
0x17e: {  	s0 =	sor.u32 $0x50, s26  }
0x17f: {  	[tilespmem:s0+$0x12000] =	vst v4  }
0x180: {  	v4 =	vld.idx.msk [tilespmem:v0+s21+$0xFFFFFDE0], $0xffff  }
0x181: {  	v5 =	vld.idx.msk [tilespmem:v2+s21+$0xFFFFFDE0], $0xffff  }
0x182: {  	v6 =	vld.idx.msk [tilespmem:v1+s21+$0xFFFFFDE0], $0xffff  }
0x183: {  	v7 =	vld.idx.msk [tilespmem:v3+s21+$0xFFFFFDE0], $0xffff;
	_ =	sdelay $0x4  }
0x184: {  	v4 =	vadd.f32 v6, v4;
	v5 =	vadd.f32 v7, v5;
	_ =	sdelay $0x1  }
0x185: {  	v4 =	vadd.f32 v5, v4;
	_ =	sdelay $0x1  }
0x186: {  	v4 =	vmul.f32 $2.500000000e-01, v4;
	_ =	sdelay $0x1  }
0x187: {  	[tilespmem:s22+$0xFFFFFFE0] =	vst v4  }
0x188: {  	v4 =	vld.idx.msk [tilespmem:v3+s21+$0xFFFFFE00], $0xffff  }
0x189: {  	v5 =	vld.idx.msk [tilespmem:v1+s21+$0xFFFFFE00], $0xffff  }
0x18a: {  	v6 =	vld.idx.msk [tilespmem:v0+s21+$0xFFFFFE00], $0xffff  }
0x18b: {  	v7 =	vld.idx.msk [tilespmem:v2+s21+$0xFFFFFE00], $0xffff;
	_ =	sdelay $0x4  }
0x18c: {  	v5 =	vadd.f32 v5, v6;
	v4 =	vadd.f32 v4, v7;
	_ =	sdelay $0x1  }
0x18d: {  	v4 =	vadd.f32 v4, v5;
	_ =	sdelay $0x1  }
0x18e: {  	s30 =	simm.s32 $0x60;
	v4 =	vmul.f32 $2.500000000e-01, v4  }
0x18f: {  	s0 =	sor.u32 $0x70, s30  }
0x190: {  	[tilespmem:s0+$0x12000] =	vst v4  }
0x191: {  	v4 =	vld.idx.msk [tilespmem:v1+s21+$0xFFFFFE60], $0xffff  }
0x192: {  	v5 =	vld.idx.msk [tilespmem:v3+s21+$0xFFFFFE60], $0xffff  }
0x193: {  	v6 =	vld.idx.msk [tilespmem:v0+s21+$0xFFFFFE60], $0xffff  }
0x194: {  	v7 =	vld.idx.msk [tilespmem:v2+s21+$0xFFFFFE60], $0xffff;
	_ =	sdelay $0x4  }
0x195: {  	v4 =	vadd.f32 v4, v6;
	v5 =	vadd.f32 v5, v7;
	_ =	sdelay $0x1  }
0x196: {  	v4 =	vadd.f32 v5, v4;
	_ =	sdelay $0x1  }
0x197: {  	v4 =	vmul.f32 $2.500000000e-01, v4;
	_ =	sdelay $0x1  }
0x198: {  	[tilespmem:s22+$0x0] =	vst v4  }
0x199: {  	v4 =	vld.idx.msk [tilespmem:v1+s21+$0xFFFFFE80], $0xffff  }
0x19a: {  	v5 =	vld.idx.msk [tilespmem:v3+s21+$0xFFFFFE80], $0xffff  }
0x19b: {  	v6 =	vld.idx.msk [tilespmem:v0+s21+$0xFFFFFE80], $0xffff  }
0x19c: {  	v7 =	vld.idx.msk [tilespmem:v2+s21+$0xFFFFFE80], $0xffff;
	_ =	sdelay $0x4  }
0x19d: {  	v4 =	vadd.f32 v4, v6;
	v5 =	vadd.f32 v5, v7;
	_ =	sdelay $0x1  }
0x19e: {  	v4 =	vadd.f32 v5, v4;
	_ =	sdelay $0x1  }
0x19f: {  	v4 =	vmul.f32 $2.500000000e-01, v4;
	_ =	sdelay $0x1  }
0x1a0: {  	[tilespmem:s22+$0x10] =	vst v4  }
0x1a1: {  	v4 =	vld.idx.msk [tilespmem:v1+s21+$0xFFFFFEE0], $0xffff  }
0x1a2: {  	v5 =	vld.idx.msk [tilespmem:v3+s21+$0xFFFFFEE0], $0xffff  }
0x1a3: {  	v6 =	vld.idx.msk [tilespmem:v0+s21+$0xFFFFFEE0], $0xffff  }
0x1a4: {  	v7 =	vld.idx.msk [tilespmem:v2+s21+$0xFFFFFEE0], $0xffff;
	_ =	sdelay $0x4  }
0x1a5: {  	v4 =	vadd.f32 v4, v6;
	v5 =	vadd.f32 v5, v7;
	_ =	sdelay $0x1  }
0x1a6: {  	v4 =	vadd.f32 v5, v4;
	_ =	sdelay $0x1  }
0x1a7: {  	v4 =	vmul.f32 $2.500000000e-01, v4;
	_ =	sdelay $0x1  }
0x1a8: {  	[tilespmem:s22+$0x20] =	vst v4  }
0x1a9: {  	v4 =	vld.idx.msk [tilespmem:v1+s21+$0xFFFFFF00], $0xffff  }
0x1aa: {  	v5 =	vld.idx.msk [tilespmem:v3+s21+$0xFFFFFF00], $0xffff  }
0x1ab: {  	v6 =	vld.idx.msk [tilespmem:v0+s21+$0xFFFFFF00], $0xffff  }
0x1ac: {  	v7 =	vld.idx.msk [tilespmem:v2+s21+$0xFFFFFF00], $0xffff;
	_ =	sdelay $0x4  }
0x1ad: {  	v4 =	vadd.f32 v4, v6;
	v5 =	vadd.f32 v5, v7;
	_ =	sdelay $0x1  }
0x1ae: {  	v4 =	vadd.f32 v5, v4;
	_ =	sdelay $0x1  }
0x1af: {  	s31 =	simm.s32 $0xA0;
	v4 =	vmul.f32 $2.500000000e-01, v4  }
0x1b0: {  	s0 =	sor.u32 $0x30, s31  }
0x1b1: {  	[tilespmem:s0+$0x12000] =	vst v4  }
0x1b2: {  	v4 =	vld.idx.msk [tilespmem:v1+s21+$0xFFFFFF60], $0xffff  }
0x1b3: {  	v5 =	vld.idx.msk [tilespmem:v3+s21+$0xFFFFFF60], $0xffff  }
0x1b4: {  	v6 =	vld.idx.msk [tilespmem:v0+s21+$0xFFFFFF60], $0xffff  }
0x1b5: {  	v7 =	vld.idx.msk [tilespmem:v2+s21+$0xFFFFFF60], $0xffff;
	_ =	sdelay $0x4  }
0x1b6: {  	v4 =	vadd.f32 v4, v6;
	v5 =	vadd.f32 v5, v7;
	_ =	sdelay $0x1  }
0x1b7: {  	v4 =	vadd.f32 v5, v4;
	_ =	sdelay $0x1  }
0x1b8: {  	v4 =	vmul.f32 $2.500000000e-01, v4;
	_ =	sdelay $0x1  }
0x1b9: {  	[tilespmem:s22+$0x40] =	vst v4  }
0x1ba: {  	s25 =	simm.s32 $0xE0;
	s24 =	simm.s32 $0xC0;
	s28 =	simm.s32 $0x12180;
	v4 =	vld.idx.msk [tilespmem:v0+s21+$0xFFFFFF80], $0xffff  }
0x1bb: {  	s29 =	simm.s32 $0x83A0;
	s23 =	simm.s32 $0xE0;
	s26 =	simm.s32 $0x0;
	v5 =	vld.idx.msk [tilespmem:v2+s21+$0xFFFFFF80], $0xffff  }
.LBB2_9:
0x1bc: {  	s26 =	sadd.s32 $0x8, s26;
	v6 =	vld.idx.msk [tilespmem:v1+s21+$0xFFFFFF80], $0xffff;
	s29 =	sadd.s32 $0x400, s29;
	s25 =	sadd.s32 $0x100, s25  }
0x1bd: {  	s0 =	sadd.s32 $0xFFFFFFE0, s25;
	p0 =	slt.u32 s26, $0xF8;
	v7 =	vld.idx.msk [tilespmem:v3+s21+$0xFFFFFF80], $0xffff;
	_ =	sdelay $0x4  }
0x1be: {  	v4 =	vadd.f32 v6, v4  }
0x1bf: {  	v5 =	vadd.f32 v7, v5;
	_ =	sdelay $0x1  }
0x1c0: {  	v4 =	vadd.f32 v5, v4;
	_ =	sdelay $0x1  }
0x1c1: {  	v4 =	vmul.f32 $2.500000000e-01, v4  }
0x1c2: {  	s30 =	sor.u32 $0x50, s24;
	s24 =	smov.u32 s0  }
0x1c3: {  	[tilespmem:s30+$0x12000] =	vst v4  }
0x1c4: {  	v4 =	vld.idx.msk [tilespmem:v0+s21+$0xFFFFFFE0], $0xffff  }
0x1c5: {  	v5 =	vld.idx.msk [tilespmem:v1+s21+$0xFFFFFFE0], $0xffff  }
0x1c6: {  	v6 =	vld.idx.msk [tilespmem:v3+s21+$0xFFFFFFE0], $0xffff  }
0x1c7: {  	v7 =	vld.idx.msk [tilespmem:v2+s21+$0xFFFFFFE0], $0xffff;
	_ =	sdelay $0x3  }
0x1c8: {  	v4 =	vadd.f32 v5, v4;
	_ =	sdelay $0x1  }
0x1c9: {  	v5 =	vadd.f32 v6, v7;
	_ =	sdelay $0x1  }
0x1ca: {  	v4 =	vadd.f32 v5, v4;
	_ =	sdelay $0x1  }
0x1cb: {  	v4 =	vmul.f32 $2.500000000e-01, v4;
	_ =	sdelay $0x1  }
0x1cc: {  	[tilespmem:s22+$0x60] =	vst v4;
	s22 =	smov.u32 s28  }
0x1cd: {  	v4 =	vld.idx.msk [tilespmem:v0+s21+$0x0], $0xffff  }
0x1ce: {  	v5 =	vld.idx.msk [tilespmem:v3+s21+$0x0], $0xffff  }
0x1cf: {  	v6 =	vld.idx.msk [tilespmem:v1+s21+$0x0], $0xffff  }
0x1d0: {  	v7 =	vld.idx.msk [tilespmem:v2+s21+$0x0], $0xffff;
	s21 =	smov.u32 s29;
	_ =	sdelay $0x4  }
0x1d1: {  	v4 =	vadd.f32 v6, v4  }
0x1d2: {  	v5 =	vadd.f32 v5, v7;
	_ =	sdelay $0x1  }
0x1d3: {  	v4 =	vadd.f32 v5, v4;
	_ =	sdelay $0x1  }
0x1d4: {  	s0 =	sor.u32 $0x70, s23;
	s23 =	smov.u32 s25;
	v4 =	vmul.f32 $2.500000000e-01, v4;
	_ =	sdelay $0x1  }
0x1d5: {  	[tilespmem:s0+$0x12000] =	vst v4  }
0x1d6: {  	v4 =	vld.idx.msk [tilespmem:v0+s29+$0xFFFFFC60], $0xffff  }
0x1d7: {  	v5 =	vld.idx.msk [tilespmem:v3+s29+$0xFFFFFC60], $0xffff  }
0x1d8: {  	v6 =	vld.idx.msk [tilespmem:v2+s29+$0xFFFFFC60], $0xffff  }
0x1d9: {  	v7 =	vld.idx.msk [tilespmem:v1+s29+$0xFFFFFC60], $0xffff;
	_ =	sdelay $0x4  }
0x1da: {  	v5 =	vadd.f32 v5, v6  }
0x1db: {  	v4 =	vadd.f32 v7, v4;
	_ =	sdelay $0x1  }
0x1dc: {  	v4 =	vadd.f32 v5, v4;
	_ =	sdelay $0x1  }
0x1dd: {  	v4 =	vmul.f32 $2.500000000e-01, v4;
	_ =	sdelay $0x1  }
0x1de: {  	[tilespmem:s28+$0xFFFFFF80] =	vst v4  }
0x1df: {  	v4 =	vld.idx.msk [tilespmem:v3+s29+$0xFFFFFC80], $0xffff  }
0x1e0: {  	v5 =	vld.idx.msk [tilespmem:v0+s29+$0xFFFFFC80], $0xffff  }
0x1e1: {  	v6 =	vld.idx.msk [tilespmem:v2+s29+$0xFFFFFC80], $0xffff  }
0x1e2: {  	v7 =	vld.idx.msk [tilespmem:v1+s29+$0xFFFFFC80], $0xffff;
	_ =	sdelay $0x4  }
0x1e3: {  	v4 =	vadd.f32 v4, v6  }
0x1e4: {  	v5 =	vadd.f32 v7, v5;
	_ =	sdelay $0x1  }
0x1e5: {  	v4 =	vadd.f32 v4, v5;
	_ =	sdelay $0x1  }
0x1e6: {  	v4 =	vmul.f32 $2.500000000e-01, v4;
	_ =	sdelay $0x1  }
0x1e7: {  	[tilespmem:s28+$0xFFFFFF90] =	vst v4  }
0x1e8: {  	v4 =	vld.idx.msk [tilespmem:v2+s29+$0xFFFFFCE0], $0xffff  }
0x1e9: {  	v5 =	vld.idx.msk [tilespmem:v1+s29+$0xFFFFFCE0], $0xffff  }
0x1ea: {  	v6 =	vld.idx.msk [tilespmem:v0+s29+$0xFFFFFCE0], $0xffff  }
0x1eb: {  	v7 =	vld.idx.msk [tilespmem:v3+s29+$0xFFFFFCE0], $0xffff;
	_ =	sdelay $0x4  }
0x1ec: {  	v5 =	vadd.f32 v5, v6  }
0x1ed: {  	v4 =	vadd.f32 v7, v4;
	_ =	sdelay $0x1  }
0x1ee: {  	v4 =	vadd.f32 v4, v5;
	_ =	sdelay $0x1  }
0x1ef: {  	v4 =	vmul.f32 $2.500000000e-01, v4;
	_ =	sdelay $0x1  }
0x1f0: {  	[tilespmem:s28+$0xFFFFFFA0] =	vst v4  }
0x1f1: {  	v4 =	vld.idx.msk [tilespmem:v3+s29+$0xFFFFFD00], $0xffff  }
0x1f2: {  	v5 =	vld.idx.msk [tilespmem:v1+s29+$0xFFFFFD00], $0xffff  }
0x1f3: {  	v6 =	vld.idx.msk [tilespmem:v0+s29+$0xFFFFFD00], $0xffff  }
0x1f4: {  	v7 =	vld.idx.msk [tilespmem:v2+s29+$0xFFFFFD00], $0xffff;
	_ =	sdelay $0x4  }
0x1f5: {  	v5 =	vadd.f32 v5, v6  }
0x1f6: {  	v4 =	vadd.f32 v4, v7;
	_ =	sdelay $0x1  }
0x1f7: {  	v4 =	vadd.f32 v4, v5;
	_ =	sdelay $0x1  }
0x1f8: {  	s0 =	sadd.s32 $0xFFFFFF40, s25;
	v4 =	vmul.f32 $2.500000000e-01, v4  }
0x1f9: {  	s0 =	sor.u32 $0x30, s0  }
0x1fa: {  	[tilespmem:s0+$0x12000] =	vst v4  }
0x1fb: {  	v4 =	vld.idx.msk [tilespmem:v1+s29+$0xFFFFFD60], $0xffff  }
0x1fc: {  	v5 =	vld.idx.msk [tilespmem:v3+s29+$0xFFFFFD60], $0xffff  }
0x1fd: {  	v6 =	vld.idx.msk [tilespmem:v0+s29+$0xFFFFFD60], $0xffff  }
0x1fe: {  	v7 =	vld.idx.msk [tilespmem:v2+s29+$0xFFFFFD60], $0xffff;
	_ =	sdelay $0x4  }
0x1ff: {  	v4 =	vadd.f32 v4, v6  }
0x200: {  	v5 =	vadd.f32 v5, v7;
	_ =	sdelay $0x1  }
0x201: {  	v4 =	vadd.f32 v5, v4;
	_ =	sdelay $0x1  }
0x202: {  	v4 =	vmul.f32 $2.500000000e-01, v4;
	_ =	sdelay $0x1  }
0x203: {  	[tilespmem:s28+$0xFFFFFFC0] =	vst v4  }
0x204: {  	v4 =	vld.idx.msk [tilespmem:v1+s29+$0xFFFFFD80], $0xffff  }
0x205: {  	v5 =	vld.idx.msk [tilespmem:v3+s29+$0xFFFFFD80], $0xffff  }
0x206: {  	v6 =	vld.idx.msk [tilespmem:v2+s29+$0xFFFFFD80], $0xffff  }
0x207: {  	v7 =	vld.idx.msk [tilespmem:v0+s29+$0xFFFFFD80], $0xffff;
	_ =	sdelay $0x4  }
0x208: {  	v5 =	vadd.f32 v5, v6  }
0x209: {  	v4 =	vadd.f32 v4, v7;
	_ =	sdelay $0x1  }
0x20a: {  	v4 =	vadd.f32 v5, v4;
	_ =	sdelay $0x1  }
0x20b: {  	s0 =	sadd.s32 $0xFFFFFF60, s25;
	v4 =	vmul.f32 $2.500000000e-01, v4  }
0x20c: {  	s0 =	sor.u32 $0x50, s0  }
0x20d: {  	[tilespmem:s0+$0x12000] =	vst v4  }
0x20e: {  	v4 =	vld.idx.msk [tilespmem:v0+s29+$0xFFFFFDE0], $0xffff  }
0x20f: {  	v5 =	vld.idx.msk [tilespmem:v2+s29+$0xFFFFFDE0], $0xffff  }
0x210: {  	v6 =	vld.idx.msk [tilespmem:v1+s29+$0xFFFFFDE0], $0xffff  }
0x211: {  	v7 =	vld.idx.msk [tilespmem:v3+s29+$0xFFFFFDE0], $0xffff;
	_ =	sdelay $0x4  }
0x212: {  	v4 =	vadd.f32 v6, v4  }
0x213: {  	v5 =	vadd.f32 v7, v5;
	_ =	sdelay $0x1  }
0x214: {  	v4 =	vadd.f32 v5, v4;
	_ =	sdelay $0x1  }
0x215: {  	v4 =	vmul.f32 $2.500000000e-01, v4;
	_ =	sdelay $0x1  }
0x216: {  	[tilespmem:s28+$0xFFFFFFE0] =	vst v4  }
0x217: {  	v4 =	vld.idx.msk [tilespmem:v3+s29+$0xFFFFFE00], $0xffff  }
0x218: {  	v5 =	vld.idx.msk [tilespmem:v1+s29+$0xFFFFFE00], $0xffff  }
0x219: {  	v6 =	vld.idx.msk [tilespmem:v0+s29+$0xFFFFFE00], $0xffff  }
0x21a: {  	v7 =	vld.idx.msk [tilespmem:v2+s29+$0xFFFFFE00], $0xffff;
	_ =	sdelay $0x4  }
0x21b: {  	v5 =	vadd.f32 v5, v6  }
0x21c: {  	v4 =	vadd.f32 v4, v7;
	_ =	sdelay $0x1  }
0x21d: {  	v4 =	vadd.f32 v4, v5;
	_ =	sdelay $0x1  }
0x21e: {  	s0 =	sadd.s32 $0xFFFFFF80, s25;
	v4 =	vmul.f32 $2.500000000e-01, v4  }
0x21f: {  	s0 =	sor.u32 $0x70, s0  }
0x220: {  	[tilespmem:s0+$0x12000] =	vst v4  }
0x221: {  	v4 =	vld.idx.msk [tilespmem:v1+s29+$0xFFFFFE60], $0xffff  }
0x222: {  	v5 =	vld.idx.msk [tilespmem:v3+s29+$0xFFFFFE60], $0xffff  }
0x223: {  	v6 =	vld.idx.msk [tilespmem:v0+s29+$0xFFFFFE60], $0xffff  }
0x224: {  	v7 =	vld.idx.msk [tilespmem:v2+s29+$0xFFFFFE60], $0xffff;
	_ =	sdelay $0x4  }
0x225: {  	v4 =	vadd.f32 v4, v6  }
0x226: {  	v5 =	vadd.f32 v5, v7;
	_ =	sdelay $0x1  }
0x227: {  	v4 =	vadd.f32 v5, v4;
	_ =	sdelay $0x1  }
0x228: {  	v4 =	vmul.f32 $2.500000000e-01, v4;
	_ =	sdelay $0x1  }
0x229: {  	[tilespmem:s28+$0x0] =	vst v4  }
0x22a: {  	v4 =	vld.idx.msk [tilespmem:v1+s29+$0xFFFFFE80], $0xffff  }
0x22b: {  	v5 =	vld.idx.msk [tilespmem:v3+s29+$0xFFFFFE80], $0xffff  }
0x22c: {  	v6 =	vld.idx.msk [tilespmem:v0+s29+$0xFFFFFE80], $0xffff  }
0x22d: {  	v7 =	vld.idx.msk [tilespmem:v2+s29+$0xFFFFFE80], $0xffff;
	_ =	sdelay $0x4  }
0x22e: {  	v4 =	vadd.f32 v4, v6  }
0x22f: {  	v5 =	vadd.f32 v5, v7;
	_ =	sdelay $0x1  }
0x230: {  	v4 =	vadd.f32 v5, v4;
	_ =	sdelay $0x1  }
0x231: {  	v4 =	vmul.f32 $2.500000000e-01, v4;
	_ =	sdelay $0x1  }
0x232: {  	[tilespmem:s28+$0x10] =	vst v4  }
0x233: {  	v4 =	vld.idx.msk [tilespmem:v1+s29+$0xFFFFFEE0], $0xffff  }
0x234: {  	v5 =	vld.idx.msk [tilespmem:v3+s29+$0xFFFFFEE0], $0xffff  }
0x235: {  	v6 =	vld.idx.msk [tilespmem:v0+s29+$0xFFFFFEE0], $0xffff  }
0x236: {  	v7 =	vld.idx.msk [tilespmem:v2+s29+$0xFFFFFEE0], $0xffff;
	_ =	sdelay $0x4  }
0x237: {  	v4 =	vadd.f32 v4, v6  }
0x238: {  	v5 =	vadd.f32 v5, v7;
	_ =	sdelay $0x1  }
0x239: {  	v4 =	vadd.f32 v5, v4;
	_ =	sdelay $0x1  }
0x23a: {  	v4 =	vmul.f32 $2.500000000e-01, v4;
	_ =	sdelay $0x1  }
0x23b: {  	[tilespmem:s28+$0x20] =	vst v4  }
0x23c: {  	v4 =	vld.idx.msk [tilespmem:v1+s29+$0xFFFFFF00], $0xffff  }
0x23d: {  	v5 =	vld.idx.msk [tilespmem:v3+s29+$0xFFFFFF00], $0xffff  }
0x23e: {  	v6 =	vld.idx.msk [tilespmem:v0+s29+$0xFFFFFF00], $0xffff  }
0x23f: {  	v7 =	vld.idx.msk [tilespmem:v2+s29+$0xFFFFFF00], $0xffff;
	_ =	sdelay $0x4  }
0x240: {  	v4 =	vadd.f32 v4, v6  }
0x241: {  	v5 =	vadd.f32 v5, v7;
	_ =	sdelay $0x1  }
0x242: {  	v4 =	vadd.f32 v5, v4;
	_ =	sdelay $0x1  }
0x243: {  	s0 =	sadd.s32 $0xFFFFFFC0, s25;
	v4 =	vmul.f32 $2.500000000e-01, v4  }
0x244: {  	s0 =	sor.u32 $0x30, s0  }
0x245: {  	[tilespmem:s0+$0x12000] =	vst v4  }
0x246: {  	v4 =	vld.idx.msk [tilespmem:v1+s29+$0xFFFFFF60], $0xffff  }
0x247: {  	v5 =	vld.idx.msk [tilespmem:v3+s29+$0xFFFFFF60], $0xffff  }
0x248: {  	v6 =	vld.idx.msk [tilespmem:v0+s29+$0xFFFFFF60], $0xffff  }
0x249: {  	v7 =	vld.idx.msk [tilespmem:v2+s29+$0xFFFFFF60], $0xffff;
	_ =	sdelay $0x4  }
0x24a: {  	v4 =	vadd.f32 v4, v6  }
0x24b: {  	v5 =	vadd.f32 v5, v7;
	_ =	sdelay $0x1  }
0x24c: {  	v4 =	vadd.f32 v5, v4;
	_ =	sdelay $0x1  }
.Ltmp4:
0x24d: {  	v4 =	vmul.f32 $2.500000000e-01, v4;
	(pc) =	sbr.rel @p0 .LBB2_9-.Ltmp4, $4  }
0x24e: {  	_ = 	snop  }
0x24f: {  	[tilespmem:s28+$0x40] =	vst v4  }
0x250: {  	v4 =	vld.idx.msk [tilespmem:v0+s29+$0xFFFFFF80], $0xffff  }
0x251: {  	s28 =	sadd.s32 $0x100, s28;
	v5 =	vld.idx.msk [tilespmem:v2+s29+$0xFFFFFF80], $0xffff  }
0x252: {  	_ =	sdelay $0x3  }
0x253: {  	v6 =	vld.idx.msk [tilespmem:v1+s21+$0xFFFFFF80], $0xffff  }
0x254: {  	v7 =	vld.idx.msk [tilespmem:v3+s21+$0xFFFFFF80], $0xffff;
	_ =	sdelay $0x4  }
0x255: {  	v4 =	vadd.f32 v6, v4;
	v5 =	vadd.f32 v7, v5;
	_ =	sdelay $0x1  }
0x256: {  	v4 =	vadd.f32 v5, v4;
	_ =	sdelay $0x1  }
0x257: {  	v4 =	vmul.f32 $2.500000000e-01, v4  }
0x258: {  	s0 =	sor.u32 $0x50, s24  }
0x259: {  	[tilespmem:s0+$0x12000] =	vst v4  }
0x25a: {  	v4 =	vld.idx.msk [tilespmem:v0+s21+$0xFFFFFFE0], $0xffff  }
0x25b: {  	v5 =	vld.idx.msk [tilespmem:v1+s21+$0xFFFFFFE0], $0xffff  }
0x25c: {  	v60 =	vld.idx.msk [tilespmem:v3+s21+$0xFFFFFFE0], $0xffff  }
0x25d: {  	v61 =	vld.idx.msk [tilespmem:v2+s21+$0xFFFFFFE0], $0xffff;
	_ =	sdelay $0x4  }
0x25e: {  	v4 =	vadd.f32 v5, v4;
	v5 =	vadd.f32 v60, v61;
	_ =	sdelay $0x1  }
0x25f: {  	v4 =	vadd.f32 v5, v4;
	_ =	sdelay $0x1  }
0x260: {  	v4 =	vmul.f32 $2.500000000e-01, v4;
	_ =	sdelay $0x1  }
0x261: {  	[tilespmem:s22+$0x60] =	vst v4  }
0x262: {  	v4 =	vld.idx.msk [tilespmem:v0+s21+$0x0], $0xffff  }
0x263: {  	v5 =	vld.idx.msk [tilespmem:v3+s21+$0x0], $0xffff  }
0x264: {  	v62 =	vld.idx.msk [tilespmem:v1+s21+$0x0], $0xffff  }
0x265: {  	v63 =	vld.idx.msk [tilespmem:v2+s21+$0x0], $0xffff;
	_ =	sdelay $0x4  }
0x266: {  	v4 =	vadd.f32 v62, v4;
	v5 =	vadd.f32 v5, v63  }
0x267: {  	s18 =	sadd.s32 $0x1, s18  }
0x268: {  	p0 =	sne.s32 s18, $0x8;
	v4 =	vadd.f32 v5, v4  }
.Ltmp5:
0x269: {  	s29 =	sshll.u32 s19, $0x4;
	(pc) =	sbr.rel @p0 .LBB2_2-.Ltmp5, $4  }
0x26a: {  	s30 =	sshll.u32 s20, $0xA;
	s0 =	sand.u32 $0x70, s29;
	v4 =	vmul.f32 $2.500000000e-01, v4  }
0x26b: {  	s31 =	sor.u32 $0x70, s23;
	s19 =	sand.u32 $0x7E000, s30;
	s0 =	sadd.s32 s5, s0  }
0x26c: {  	s0 =	sadd.s32 s19, s0;
	[tilespmem:s31+$0x12000] =	vst v4  }
0x26d: {  	[hbm4b:s0+s8] =	stream.strided.scatter [tilespmem:s15], [sflag:$0x4], $0x2000, s9, s8, $0x38;
	[tilespmem:$0x14000] =	vst v63  }
0x26e: {  	s17 =	sadd.s32 $0x1, s17  }
0x26f: {  	_ =	swait.ge [sflag:s16], $0x2000;
	p0 =	sne.s32 s17, s7  }
.Ltmp6:
0x270: {  	[sflag:s16] =	ssyncset.done $0x0;
	(pc) =	sbr.rel @p0 .LBB2_1-.Ltmp6, $4  }
0x271: {  	[sflag:s16] =	ssyncadd.s32 $0xFFFFE000  }
0x272: {  	_ =	swait.ge [sflag:s14], $0x2000  }
0x273: {  	[sflag:s14] =	ssyncset.done $0x0  }
0x274: {  	[sflag:s14] =	ssyncadd.s32 $0xFFFFE000  }
0x275: {  	_ =	sfence.sel $0x180000  }
0x276: {  	[bflag:$0x0] =	sbarrier.arrive $0xFFFF  }
0x277: {  	_ =	strace $0x90000047  }
0x278: {  	[bflag:$0x2] =	sbarrier.arrive $0xFFFF  }
0x279: {  	p0 =	sne.s32 s1, $0x0;
	s0 =	rddreg [dreg:$0x1]  }
0x27a: {  	s0 =	sadd.s32 @!p0 $0x100000, s0  }
0x27b: {  	[sflag:s0] =	ssyncadd.tile.s32 @!p0 $0x1;
	_ =	shalt  }
.Lfunc_end2:
_tile_overlayer_lowered:
.L_overlay_start_2:
0x27c: {  	(tag) =	ssettag $0x2  }
0x27d: {  	s0 =	rddreg [dreg:$0x0];
	s2 =	stileid.u32  }
0x27e: {  	s1 =	rddreg [dreg:$0x1];
	p0 =	sne.s32 s2, $0x0  }
0x27f: {  	s3 =	rddreg [dreg:$0x2];
	[bflag:$0x3] =	sbarrier.arrive $0xFFFF;
	s2 =	simm.s32 @!p0 $0x1C05  }
0x280: {  	[timem:s3], [sflag:s2] =	dma.local @!p0 [hbm:s0], s1  }
0x281: {  	s0 =	simm.s32 @!p0 $0x5  }
0x282: {  	_ =	swait.ge @!p0 [sflag:s0], s1  }
0x283: {  	s1 =	ssub.s32 @!p0 $0x0, s1;
	[sflag:s0] =	ssyncset.done @!p0 $0x0  }
0x284: {  	[sflag:s0] =	ssyncadd.s32 @!p0 s1  }
0x285: {  	[bflag:$0x3] =	sbarrier.arrive $0xFFFF  }
0x286: {  	_ =	shalt  }

</sc_bundles>
